<compile_context>
chip_gen: v7x
topology: tpu7x:2x2x1
jax: 0.10.2.dev20260603
libtpu: 0.0.44.dev20260713+nightly
codegen_flags: <defaults>
</compile_context>

<pallas_src>
import functools

import jax
import jax.numpy as jnp
from jax import lax
from jax.experimental import pallas as pl
from jax.experimental.pallas import tpu as pltpu
from jax.experimental.pallas import tpu_sc as plsc

_NUM_CORES = 2
_NUM_SUBCORES = 16
_LANES = 16


def _next_lane(a):
    shift = jnp.minimum(lax.iota(jnp.int32, _LANES) + 1, _LANES - 1)
    return jnp.take_along_axis(a, shift, axis=0)


@functools.lru_cache(maxsize=None)
def _make_sc_winner(n, b):
    slice_sz = -(-n // _NUM_SUBCORES)
    slice_sz = -(-slice_sz // 128) * 128
    pos_sz = slice_sz * _NUM_SUBCORES

    mesh = plsc.VectorSubcoreMesh(
        core_axis_name="c", subcore_axis_name="s",
        num_cores=_NUM_CORES, num_subcores=_NUM_SUBCORES)

    def body(idx_hbm, pos_hbm, idx_all, pos_slice):
        s = lax.axis_index("s")
        lane = lax.iota(jnp.int32, _LANES)
        last_lane = lane == _LANES - 1

        pltpu.sync_copy(idx_hbm, idx_all)

        lo = s * slice_sz

        def scan_step(i, carry):
            v = idx_all[pl.ds(i * _LANES, _LANES)]
            k = v * _LANES + lane
            ks = lax.sort(k)
            a = ks >> 4
            p = (ks & (_LANES - 1)) + i * _LANES
            keep = (a != _next_lane(a)) | last_lane
            rel = a - lo
            inr = (rel >= 0) & (rel < slice_sz)
            plsc.store_scatter(pos_slice, [rel], p, mask=keep & inr)
            return carry

        lax.fori_loop(0, b // _LANES, scan_step, 0, unroll=4)

        pltpu.sync_copy(pos_slice, pos_hbm.at[pl.ds(lo, slice_sz)])

    return pl.kernel(
        body,
        out_type=jax.ShapeDtypeStruct((pos_sz,), jnp.int32),
        mesh=mesh,
        compiler_params=pltpu.CompilerParams(needs_layout_passes=False),
        scratch_types=(
            pltpu.VMEM((b,), jnp.int32),
            pltpu.VMEM((slice_sz,), jnp.int32),
        ),
    )


def _rnn_body(x0_ref, x1_ref, x2_ref, wih_ref, whh_ref, b_ref, out_ref):
    wih = wih_ref[...]
    whh = whh_ref[...]
    bias = b_ref[...]
    dn = (((1,), (1,)), ((), ()))
    h = jnp.tanh(
        lax.dot_general(x0_ref[...], wih, dn, preferred_element_type=jnp.float32)
        + bias
    )
    h = jnp.tanh(
        lax.dot_general(x1_ref[...], wih, dn, preferred_element_type=jnp.float32)
        + lax.dot_general(h, whh, dn, preferred_element_type=jnp.float32)
        + bias
    )
    h = jnp.tanh(
        lax.dot_general(x2_ref[...], wih, dn, preferred_element_type=jnp.float32)
        + lax.dot_general(h, whh, dn, preferred_element_type=jnp.float32)
        + bias
    )
    out_ref[...] = h


def kernel(node_idxs, values, memory, last_memory, last_memory2, W_ih, W_hh, b_ih, b_hh):
    del last_memory2
    n = memory.shape[0]
    b_sz, d = values.shape
    idx = node_idxs.astype(jnp.int32)
    pos = _make_sc_winner(n, b_sz)(idx)
    w = jnp.take(pos, idx, axis=0)
    x0 = jnp.take(values, w, axis=0)
    x1 = jnp.take(memory, idx, axis=0)
    x2 = jnp.take(last_memory, idx, axis=0)
    bias = (b_ih + b_hh).reshape(1, d)
    h = pl.pallas_call(
        _rnn_body,
        out_shape=jax.ShapeDtypeStruct((b_sz, d), jnp.float32),
    )(x0, x1, x2, W_ih, W_hh, bias)
    return h

# --- scband reference (transcript-rebuilt; emitter-appended) ---
"""Pipeline reference for scband-mailbox-67104569033100 (READ-ONLY COPY).

The authoritative reference and input builder live on the scoring server;
editing this copy changes nothing except your own understanding.
"""

import jax, jax.numpy as jnp
import numpy as np

N = 1000000
D = 16
B = 16384

def setup_inputs(seed: int = 0) -> dict:
    key = jax.random.key(seed)
    ks = jax.random.split(key, 9)
    node_idxs = jax.random.randint(ks[0], (B,), 0, N)
    values = jax.random.normal(ks[1], (B, D), dtype=jnp.float32)
    memory = jax.random.normal(ks[2], (N, D), dtype=jnp.float32) * 0.02
    last_memory = jax.random.normal(ks[3], (N, D), dtype=jnp.float32) * 0.02
    last_memory2 = jax.random.normal(ks[4], (N, D), dtype=jnp.float32) * 0.02
    s = 1.0 / float(np.sqrt(D))
    W_ih = jax.random.uniform(ks[5], (D, D), minval=-s, maxval=s, dtype=jnp.float32)
    W_hh = jax.random.uniform(ks[6], (D, D), minval=-s, maxval=s, dtype=jnp.float32)
    b_ih = jax.random.uniform(ks[7], (D,), minval=-s, maxval=s, dtype=jnp.float32)
    b_hh = jax.random.uniform(ks[8], (D,), minval=-s, maxval=s, dtype=jnp.float32)
    return {"node_idxs": node_idxs, "values": values, "memory": memory,
            "last_memory": last_memory, "last_memory2": last_memory2,
            "W_ih": W_ih, "W_hh": W_hh, "b_ih": b_ih, "b_hh": b_hh}

def reference(node_idxs, values, memory, last_memory, last_memory2, W_ih, W_hh, b_ih, b_hh):
    # set_memory: shift the 3-deep memory stack at touched rows (scatter-overwrite),
    # matching torch sequential semantics (reads happen before writes).
    new_last2 = last_memory2.at[node_idxs].set(jnp.take(last_memory, node_idxs, axis=0))
    new_last = last_memory.at[node_idxs].set(jnp.take(memory, node_idxs, axis=0))
    new_mem = memory.at[node_idxs].set(values)
    # get_memory: gather the 3 memory states (detached, as in torch .detach().clone())
    # and encode with a 3-step vanilla tanh RNN; return the last hidden state (x[-1]).
    x = jnp.stack([
        jax.lax.stop_gradient(jnp.take(new_mem, node_idxs, axis=0)),
        jax.lax.stop_gradient(jnp.take(new_last, node_idxs, axis=0)),
        jax.lax.stop_gradient(jnp.take(new_last2, node_idxs, axis=0)),
    ], axis=0)
    h = jnp.zeros((node_idxs.shape[0], W_hh.shape[0]), dtype=jnp.float32)
    for t in range(3):
        h = jnp.tanh(x[t] @ W_ih.T + b_ih + h @ W_hh.T + b_hh)
    return h

if __name__ == "__main__":
    import jax
    _d = setup_inputs()
    print(jax.jit(kernel)(*tuple(_d.values())))

</pallas_src>

<mosaic_0001>
#map = affine_map<(d0, d1) -> (0)>
module attributes {stable_mosaic.version = 14 : i64} {
  func.func @body(%arg0: i32, %arg1: i32, %arg2: memref<16384xi32, #tpu.memory_space<hbm>>, %arg3: memref<1001472xi32, #tpu.memory_space<hbm>>, %arg4: memref<16384xi32, #tpu.memory_space<vmem>>, %arg5: memref<62592xi32, #tpu.memory_space<vmem>>) attributes {dimension_semantics = [#tpu.dimension_semantics<core_parallel>, #tpu.dimension_semantics<subcore_parallel>], iteration_bounds = array<i64: 2, 16>, scalar_prefetch = 0 : i64, scratch_operands = 2 : i64, tpu.core_type = #tpu.core_type<sc_vector_subcore>, window_params = [{transform_indices = #map}, {transform_indices = #map}]} {
    %iota3A = tpu.iota {dimensions = array<i32: 0>} : vector<16xi32>
    %eq3A = arith.constant 15 : i32
    %eq3A_0 = vector.broadcast %eq3A : i32 to vector<16xi32>
    %eq3A_1 = arith.cmpi eq, %iota3A, %eq3A_0 : vector<16xi32>
    "tpu.region"() ({
      %run_scoped3A = tpu.sem_alloc : memref<!tpu.dma_semaphore, #tpu.memory_space<semaphore_mem>>
      tpu.enqueue_dma source(%arg2 : memref<16384xi32, #tpu.memory_space<hbm>>) target(%arg4 : memref<16384xi32, #tpu.memory_space<vmem>>) target_semaphore(%run_scoped3A : memref<!tpu.dma_semaphore, #tpu.memory_space<semaphore_mem>>)
      tpu.wait_dma2 semaphore(%run_scoped3A : memref<!tpu.dma_semaphore, #tpu.memory_space<semaphore_mem>>) src(%arg2 : memref<16384xi32, #tpu.memory_space<hbm>>) dst(%arg4 : memref<16384xi32, #tpu.memory_space<vmem>>)
      tpu.yield
    }) : () -> ()
    %mul3A = arith.constant 62592 : i32
    %mul3A_2 = arith.muli %arg1, %mul3A : i32
    %scan3A = arith.constant 0 : i32
    %scan3A_3 = arith.constant 0 : i32
    %scan3A_4 = arith.constant 1024 : i32
    %scan3A_5 = arith.addi %scan3A_3, %scan3A_4 : i32
    %scan3A_6 = arith.constant 4 : i32
    scf.for %scan3A_8 = %scan3A_3 to %scan3A_5 step %scan3A_6  : i32 {
      %mul3A_9 = arith.constant 16 : i32
      %mul3A_10 = arith.muli %scan3A_8, %mul3A_9 : i32
      %get3A = arith.index_cast %mul3A_10 : i32 to index
      %get3A_11 = tpu.vector_load %arg4[%get3A] {strides = array<i32>} : memref<16384xi32, #tpu.memory_space<vmem>>, vector<16xi32>,
      %mul3A_12 = arith.constant 16 : i32
      %mul3A_13 = vector.broadcast %mul3A_12 : i32 to vector<16xi32>
      %mul3A_14 = arith.muli %get3A_11, %mul3A_13 : vector<16xi32>
      %add3A = arith.addi %mul3A_14, %iota3A : vector<16xi32>
      %sort3A = arith.constant dense<true> : vector<16xi1>
      %sort3A_15, %sort3A_16, %sort3A_17 = tpu.sort %add3A, %add3A masked %sort3A : (vector<16xi32>, vector<16xi32>, vector<16xi1>) -> (vector<16xi1>, vector<16xi32>, vector<16xi32>)
      %shift_right_arithmetic3A = arith.constant 4 : i32
      %shift_right_arithmetic3A_18 = vector.broadcast %shift_right_arithmetic3A : i32 to vector<16xi32>
      %shift_right_arithmetic3A_19 = arith.shrsi %sort3A_16, %shift_right_arithmetic3A_18 : vector<16xi32>
      %and3A = arith.constant 15 : i32
      %and3A_20 = vector.broadcast %and3A : i32 to vector<16xi32>
      %and3A_21 = arith.andi %sort3A_16, %and3A_20 : vector<16xi32>
      %mul3A_22 = arith.constant 16 : i32
      %mul3A_23 = arith.muli %scan3A_8, %mul3A_22 : i32
      %add3A_24 = vector.broadcast %mul3A_23 : i32 to vector<16xi32>
      %add3A_25 = arith.addi %and3A_21, %add3A_24 : vector<16xi32>
      %iota3A_26 = tpu.iota {dimensions = array<i32: 0>} : vector<16xi32>
      %add3A_27 = arith.constant 1 : i32
      %add3A_28 = vector.broadcast %add3A_27 : i32 to vector<16xi32>
      %add3A_29 = arith.addi %iota3A_26, %add3A_28 : vector<16xi32>
      %min3A = arith.constant 15 : i32
      %min3A_30 = vector.broadcast %min3A : i32 to vector<16xi32>
      %min3A_31 = arith.minsi %add3A_29, %min3A_30 : vector<16xi32>
      %lt3A = arith.constant 0 : i32
      %lt3A_32 = vector.broadcast %lt3A : i32 to vector<16xi32>
      %lt3A_33 = arith.cmpi slt, %min3A_31, %lt3A_32 : vector<16xi32>
      %add3A_34 = arith.constant 16 : i32
      %add3A_35 = vector.broadcast %add3A_34 : i32 to vector<16xi32>
      %add3A_36 = arith.addi %min3A_31, %add3A_35 : vector<16xi32>
      %select_n3A = arith.select %lt3A_33, %add3A_36, %min3A_31 : vector<16xi1>, vector<16xi32>
      %reshape3A = vector.shape_cast %select_n3A : vector<16xi32> to vector<16x1xi32>
      %gather3A = vector.shape_cast %reshape3A : vector<16x1xi32> to vector<16xi32>
      %gather3A_37 = tpu.dynamic_gather %shift_right_arithmetic3A_19[%gather3A] in [0] : vector<16xi32>, vector<16xi32> -> vector<16xi32>
      %ne3A = arith.cmpi ne, %shift_right_arithmetic3A_19, %gather3A_37 : vector<16xi32>
      %or3A = arith.ori %ne3A, %eq3A_1 : vector<16xi1>
      %sub3A = vector.broadcast %mul3A_2 : i32 to vector<16xi32>
      %sub3A_38 = arith.subi %shift_right_arithmetic3A_19, %sub3A : vector<16xi32>
      %ge3A = arith.constant 0 : i32
      %ge3A_39 = vector.broadcast %ge3A : i32 to vector<16xi32>
      %ge3A_40 = arith.cmpi sge, %sub3A_38, %ge3A_39 : vector<16xi32>
      %lt3A_41 = arith.constant 62592 : i32
      %lt3A_42 = vector.broadcast %lt3A_41 : i32 to vector<16xi32>
      %lt3A_43 = arith.cmpi slt, %sub3A_38, %lt3A_42 : vector<16xi32>
      %and3A_44 = arith.andi %ge3A_40, %lt3A_43 : vector<16xi1>
      %and3A_45 = arith.andi %or3A, %and3A_44 : vector<16xi1>
      tpu.vector_store_idx %arg5[%sub3A_38], %add3A_25 masked %and3A_45 : memref<62592xi32, #tpu.memory_space<vmem>>[vector<16xi32>], vector<16xi32>, vector<16xi1>
      %scan3A_46 = arith.constant 1 : i32
      %scan3A_47 = arith.addi %scan3A_8, %scan3A_46 : i32
      %mul3A_48 = arith.constant 16 : i32
      %mul3A_49 = arith.muli %scan3A_47, %mul3A_48 : i32
      %get3A_50 = arith.index_cast %mul3A_49 : i32 to index
      %get3A_51 = tpu.vector_load %arg4[%get3A_50] {strides = array<i32>} : memref<16384xi32, #tpu.memory_space<vmem>>, vector<16xi32>,
      %mul3A_52 = arith.constant 16 : i32
      %mul3A_53 = vector.broadcast %mul3A_52 : i32 to vector<16xi32>
      %mul3A_54 = arith.muli %get3A_51, %mul3A_53 : vector<16xi32>
      %add3A_55 = arith.addi %mul3A_54, %iota3A : vector<16xi32>
      %sort3A_56 = arith.constant dense<true> : vector<16xi1>
      %sort3A_57, %sort3A_58, %sort3A_59 = tpu.sort %add3A_55, %add3A_55 masked %sort3A_56 : (vector<16xi32>, vector<16xi32>, vector<16xi1>) -> (vector<16xi1>, vector<16xi32>, vector<16xi32>)
      %shift_right_arithmetic3A_60 = arith.constant 4 : i32
      %shift_right_arithmetic3A_61 = vector.broadcast %shift_right_arithmetic3A_60 : i32 to vector<16xi32>
      %shift_right_arithmetic3A_62 = arith.shrsi %sort3A_58, %shift_right_arithmetic3A_61 : vector<16xi32>
      %and3A_63 = arith.constant 15 : i32
      %and3A_64 = vector.broadcast %and3A_63 : i32 to vector<16xi32>
      %and3A_65 = arith.andi %sort3A_58, %and3A_64 : vector<16xi32>
      %mul3A_66 = arith.constant 16 : i32
      %mul3A_67 = arith.muli %scan3A_47, %mul3A_66 : i32
      %add3A_68 = vector.broadcast %mul3A_67 : i32 to vector<16xi32>
      %add3A_69 = arith.addi %and3A_65, %add3A_68 : vector<16xi32>
      %iota3A_70 = tpu.iota {dimensions = array<i32: 0>} : vector<16xi32>
      %add3A_71 = arith.constant 1 : i32
      %add3A_72 = vector.broadcast %add3A_71 : i32 to vector<16xi32>
      %add3A_73 = arith.addi %iota3A_70, %add3A_72 : vector<16xi32>
      %min3A_74 = arith.constant 15 : i32
      %min3A_75 = vector.broadcast %min3A_74 : i32 to vector<16xi32>
      %min3A_76 = arith.minsi %add3A_73, %min3A_75 : vector<16xi32>
      %lt3A_77 = arith.constant 0 : i32
      %lt3A_78 = vector.broadcast %lt3A_77 : i32 to vector<16xi32>
      %lt3A_79 = arith.cmpi slt, %min3A_76, %lt3A_78 : vector<16xi32>
      %add3A_80 = arith.constant 16 : i32
      %add3A_81 = vector.broadcast %add3A_80 : i32 to vector<16xi32>
      %add3A_82 = arith.addi %min3A_76, %add3A_81 : vector<16xi32>
      %select_n3A_83 = arith.select %lt3A_79, %add3A_82, %min3A_76 : vector<16xi1>, vector<16xi32>
      %reshape3A_84 = vector.shape_cast %select_n3A_83 : vector<16xi32> to vector<16x1xi32>
      %gather3A_85 = vector.shape_cast %reshape3A_84 : vector<16x1xi32> to vector<16xi32>
      %gather3A_86 = tpu.dynamic_gather %shift_right_arithmetic3A_62[%gather3A_85] in [0] : vector<16xi32>, vector<16xi32> -> vector<16xi32>
      %ne3A_87 = arith.cmpi ne, %shift_right_arithmetic3A_62, %gather3A_86 : vector<16xi32>
      %or3A_88 = arith.ori %ne3A_87, %eq3A_1 : vector<16xi1>
      %sub3A_89 = vector.broadcast %mul3A_2 : i32 to vector<16xi32>
      %sub3A_90 = arith.subi %shift_right_arithmetic3A_62, %sub3A_89 : vector<16xi32>
      %ge3A_91 = arith.constant 0 : i32
      %ge3A_92 = vector.broadcast %ge3A_91 : i32 to vector<16xi32>
      %ge3A_93 = arith.cmpi sge, %sub3A_90, %ge3A_92 : vector<16xi32>
      %lt3A_94 = arith.constant 62592 : i32
      %lt3A_95 = vector.broadcast %lt3A_94 : i32 to vector<16xi32>
      %lt3A_96 = arith.cmpi slt, %sub3A_90, %lt3A_95 : vector<16xi32>
      %and3A_97 = arith.andi %ge3A_93, %lt3A_96 : vector<16xi1>
      %and3A_98 = arith.andi %or3A_88, %and3A_97 : vector<16xi1>
      tpu.vector_store_idx %arg5[%sub3A_90], %add3A_69 masked %and3A_98 : memref<62592xi32, #tpu.memory_space<vmem>>[vector<16xi32>], vector<16xi32>, vector<16xi1>
      %scan3A_99 = arith.constant 2 : i32
      %scan3A_100 = arith.addi %scan3A_8, %scan3A_99 : i32
      %mul3A_101 = arith.constant 16 : i32
      %mul3A_102 = arith.muli %scan3A_100, %mul3A_101 : i32
      %get3A_103 = arith.index_cast %mul3A_102 : i32 to index
      %get3A_104 = tpu.vector_load %arg4[%get3A_103] {strides = array<i32>} : memref<16384xi32, #tpu.memory_space<vmem>>, vector<16xi32>,
      %mul3A_105 = arith.constant 16 : i32
      %mul3A_106 = vector.broadcast %mul3A_105 : i32 to vector<16xi32>
      %mul3A_107 = arith.muli %get3A_104, %mul3A_106 : vector<16xi32>
      %add3A_108 = arith.addi %mul3A_107, %iota3A : vector<16xi32>
      %sort3A_109 = arith.constant dense<true> : vector<16xi1>
      %sort3A_110, %sort3A_111, %sort3A_112 = tpu.sort %add3A_108, %add3A_108 masked %sort3A_109 : (vector<16xi32>, vector<16xi32>, vector<16xi1>) -> (vector<16xi1>, vector<16xi32>, vector<16xi32>)
      %shift_right_arithmetic3A_113 = arith.constant 4 : i32
      %shift_right_arithmetic3A_114 = vector.broadcast %shift_right_arithmetic3A_113 : i32 to vector<16xi32>
      %shift_right_arithmetic3A_115 = arith.shrsi %sort3A_111, %shift_right_arithmetic3A_114 : vector<16xi32>
      %and3A_116 = arith.constant 15 : i32
      %and3A_117 = vector.broadcast %and3A_116 : i32 to vector<16xi32>
      %and3A_118 = arith.andi %sort3A_111, %and3A_117 : vector<16xi32>
      %mul3A_119 = arith.constant 16 : i32
      %mul3A_120 = arith.muli %scan3A_100, %mul3A_119 : i32
      %add3A_121 = vector.broadcast %mul3A_120 : i32 to vector<16xi32>
      %add3A_122 = arith.addi %and3A_118, %add3A_121 : vector<16xi32>
      %iota3A_123 = tpu.iota {dimensions = array<i32: 0>} : vector<16xi32>
      %add3A_124 = arith.constant 1 : i32
      %add3A_125 = vector.broadcast %add3A_124 : i32 to vector<16xi32>
      %add3A_126 = arith.addi %iota3A_123, %add3A_125 : vector<16xi32>
      %min3A_127 = arith.constant 15 : i32
      %min3A_128 = vector.broadcast %min3A_127 : i32 to vector<16xi32>
      %min3A_129 = arith.minsi %add3A_126, %min3A_128 : vector<16xi32>
      %lt3A_130 = arith.constant 0 : i32
      %lt3A_131 = vector.broadcast %lt3A_130 : i32 to vector<16xi32>
      %lt3A_132 = arith.cmpi slt, %min3A_129, %lt3A_131 : vector<16xi32>
      %add3A_133 = arith.constant 16 : i32
      %add3A_134 = vector.broadcast %add3A_133 : i32 to vector<16xi32>
      %add3A_135 = arith.addi %min3A_129, %add3A_134 : vector<16xi32>
      %select_n3A_136 = arith.select %lt3A_132, %add3A_135, %min3A_129 : vector<16xi1>, vector<16xi32>
      %reshape3A_137 = vector.shape_cast %select_n3A_136 : vector<16xi32> to vector<16x1xi32>
      %gather3A_138 = vector.shape_cast %reshape3A_137 : vector<16x1xi32> to vector<16xi32>
      %gather3A_139 = tpu.dynamic_gather %shift_right_arithmetic3A_115[%gather3A_138] in [0] : vector<16xi32>, vector<16xi32> -> vector<16xi32>
      %ne3A_140 = arith.cmpi ne, %shift_right_arithmetic3A_115, %gather3A_139 : vector<16xi32>
      %or3A_141 = arith.ori %ne3A_140, %eq3A_1 : vector<16xi1>
      %sub3A_142 = vector.broadcast %mul3A_2 : i32 to vector<16xi32>
      %sub3A_143 = arith.subi %shift_right_arithmetic3A_115, %sub3A_142 : vector<16xi32>
      %ge3A_144 = arith.constant 0 : i32
      %ge3A_145 = vector.broadcast %ge3A_144 : i32 to vector<16xi32>
      %ge3A_146 = arith.cmpi sge, %sub3A_143, %ge3A_145 : vector<16xi32>
      %lt3A_147 = arith.constant 62592 : i32
      %lt3A_148 = vector.broadcast %lt3A_147 : i32 to vector<16xi32>
      %lt3A_149 = arith.cmpi slt, %sub3A_143, %lt3A_148 : vector<16xi32>
      %and3A_150 = arith.andi %ge3A_146, %lt3A_149 : vector<16xi1>
      %and3A_151 = arith.andi %or3A_141, %and3A_150 : vector<16xi1>
      tpu.vector_store_idx %arg5[%sub3A_143], %add3A_122 masked %and3A_151 : memref<62592xi32, #tpu.memory_space<vmem>>[vector<16xi32>], vector<16xi32>, vector<16xi1>
      %scan3A_152 = arith.constant 3 : i32
      %scan3A_153 = arith.addi %scan3A_8, %scan3A_152 : i32
      %mul3A_154 = arith.constant 16 : i32
      %mul3A_155 = arith.muli %scan3A_153, %mul3A_154 : i32
      %get3A_156 = arith.index_cast %mul3A_155 : i32 to index
      %get3A_157 = tpu.vector_load %arg4[%get3A_156] {strides = array<i32>} : memref<16384xi32, #tpu.memory_space<vmem>>, vector<16xi32>,
      %mul3A_158 = arith.constant 16 : i32
      %mul3A_159 = vector.broadcast %mul3A_158 : i32 to vector<16xi32>
      %mul3A_160 = arith.muli %get3A_157, %mul3A_159 : vector<16xi32>
      %add3A_161 = arith.addi %mul3A_160, %iota3A : vector<16xi32>
      %sort3A_162 = arith.constant dense<true> : vector<16xi1>
      %sort3A_163, %sort3A_164, %sort3A_165 = tpu.sort %add3A_161, %add3A_161 masked %sort3A_162 : (vector<16xi32>, vector<16xi32>, vector<16xi1>) -> (vector<16xi1>, vector<16xi32>, vector<16xi32>)
      %shift_right_arithmetic3A_166 = arith.constant 4 : i32
      %shift_right_arithmetic3A_167 = vector.broadcast %shift_right_arithmetic3A_166 : i32 to vector<16xi32>
      %shift_right_arithmetic3A_168 = arith.shrsi %sort3A_164, %shift_right_arithmetic3A_167 : vector<16xi32>
      %and3A_169 = arith.constant 15 : i32
      %and3A_170 = vector.broadcast %and3A_169 : i32 to vector<16xi32>
      %and3A_171 = arith.andi %sort3A_164, %and3A_170 : vector<16xi32>
      %mul3A_172 = arith.constant 16 : i32
      %mul3A_173 = arith.muli %scan3A_153, %mul3A_172 : i32
      %add3A_174 = vector.broadcast %mul3A_173 : i32 to vector<16xi32>
      %add3A_175 = arith.addi %and3A_171, %add3A_174 : vector<16xi32>
      %iota3A_176 = tpu.iota {dimensions = array<i32: 0>} : vector<16xi32>
      %add3A_177 = arith.constant 1 : i32
      %add3A_178 = vector.broadcast %add3A_177 : i32 to vector<16xi32>
      %add3A_179 = arith.addi %iota3A_176, %add3A_178 : vector<16xi32>
      %min3A_180 = arith.constant 15 : i32
      %min3A_181 = vector.broadcast %min3A_180 : i32 to vector<16xi32>
      %min3A_182 = arith.minsi %add3A_179, %min3A_181 : vector<16xi32>
      %lt3A_183 = arith.constant 0 : i32
      %lt3A_184 = vector.broadcast %lt3A_183 : i32 to vector<16xi32>
      %lt3A_185 = arith.cmpi slt, %min3A_182, %lt3A_184 : vector<16xi32>
      %add3A_186 = arith.constant 16 : i32
      %add3A_187 = vector.broadcast %add3A_186 : i32 to vector<16xi32>
      %add3A_188 = arith.addi %min3A_182, %add3A_187 : vector<16xi32>
      %select_n3A_189 = arith.select %lt3A_185, %add3A_188, %min3A_182 : vector<16xi1>, vector<16xi32>
      %reshape3A_190 = vector.shape_cast %select_n3A_189 : vector<16xi32> to vector<16x1xi32>
      %gather3A_191 = vector.shape_cast %reshape3A_190 : vector<16x1xi32> to vector<16xi32>
      %gather3A_192 = tpu.dynamic_gather %shift_right_arithmetic3A_168[%gather3A_191] in [0] : vector<16xi32>, vector<16xi32> -> vector<16xi32>
      %ne3A_193 = arith.cmpi ne, %shift_right_arithmetic3A_168, %gather3A_192 : vector<16xi32>
      %or3A_194 = arith.ori %ne3A_193, %eq3A_1 : vector<16xi1>
      %sub3A_195 = vector.broadcast %mul3A_2 : i32 to vector<16xi32>
      %sub3A_196 = arith.subi %shift_right_arithmetic3A_168, %sub3A_195 : vector<16xi32>
      %ge3A_197 = arith.constant 0 : i32
      %ge3A_198 = vector.broadcast %ge3A_197 : i32 to vector<16xi32>
      %ge3A_199 = arith.cmpi sge, %sub3A_196, %ge3A_198 : vector<16xi32>
      %lt3A_200 = arith.constant 62592 : i32
      %lt3A_201 = vector.broadcast %lt3A_200 : i32 to vector<16xi32>
      %lt3A_202 = arith.cmpi slt, %sub3A_196, %lt3A_201 : vector<16xi32>
      %and3A_203 = arith.andi %ge3A_199, %lt3A_202 : vector<16xi1>
      %and3A_204 = arith.andi %or3A_194, %and3A_203 : vector<16xi1>
      tpu.vector_store_idx %arg5[%sub3A_196], %add3A_175 masked %and3A_204 : memref<62592xi32, #tpu.memory_space<vmem>>[vector<16xi32>], vector<16xi32>, vector<16xi1>
    }
    %scan3A_7 = arith.constant 1024 : i32
    "tpu.region"() ({
      %run_scoped3A = tpu.sem_alloc : memref<!tpu.dma_semaphore, #tpu.memory_space<semaphore_mem>>
      %dma_start3A = tpu.memref_slice %arg3[%mul3A_2] : memref<1001472xi32, #tpu.memory_space<hbm>> -> memref<62592xi32, #tpu.memory_space<hbm>>
      %dma_start3A_8 = tpu.memref_slice %arg3[%mul3A_2] : memref<1001472xi32, #tpu.memory_space<hbm>> -> memref<62592xi32, #tpu.memory_space<hbm>>
      tpu.enqueue_dma source(%arg5 : memref<62592xi32, #tpu.memory_space<vmem>>) target(%dma_start3A_8 : memref<62592xi32, #tpu.memory_space<hbm>>) target_semaphore(%run_scoped3A : memref<!tpu.dma_semaphore, #tpu.memory_space<semaphore_mem>>)
      %dma_wait3A = tpu.memref_slice %arg3[%mul3A_2] : memref<1001472xi32, #tpu.memory_space<hbm>> -> memref<62592xi32, #tpu.memory_space<hbm>>
      %dma_wait3A_9 = tpu.memref_slice %arg3[%mul3A_2] : memref<1001472xi32, #tpu.memory_space<hbm>> -> memref<62592xi32, #tpu.memory_space<hbm>>
      tpu.wait_dma2 semaphore(%run_scoped3A : memref<!tpu.dma_semaphore, #tpu.memory_space<semaphore_mem>>) src(%arg5 : memref<62592xi32, #tpu.memory_space<vmem>>) dst(%dma_wait3A_9 : memref<62592xi32, #tpu.memory_space<hbm>>)
      tpu.yield
    }) : () -> ()
    return
  }
}

module attributes {stable_mosaic.version = 14 : i64} {
  func.func @_rnn_body(%arg0: memref<16384x16xf32, #tpu.memory_space<vmem>>, %arg1: memref<16384x16xf32, #tpu.memory_space<vmem>>, %arg2: memref<16384x16xf32, #tpu.memory_space<vmem>>, %arg3: memref<16x16xf32, #tpu.memory_space<vmem>>, %arg4: memref<16x16xf32, #tpu.memory_space<vmem>>, %arg5: memref<1x16xf32, #tpu.memory_space<vmem>>, %arg6: memref<16384x16xf32, #tpu.memory_space<vmem>>) attributes {dimension_semantics = [], scalar_prefetch = 0 : i64, scratch_operands = 0 : i64, tpu.core_type = #tpu.core_type<tc>} {
    %get3A = arith.constant 0 : index
    %get3A_0 = arith.constant 0 : index
    %get3A_1 = vector.load %arg3[%get3A, %get3A_0] : memref<16x16xf32, #tpu.memory_space<vmem>>, vector<16x16xf32>
    %get3A_2 = arith.constant 0 : index
    %get3A_3 = arith.constant 0 : index
    %get3A_4 = vector.load %arg4[%get3A_2, %get3A_3] : memref<16x16xf32, #tpu.memory_space<vmem>>, vector<16x16xf32>
    %get3A_5 = arith.constant 0 : index
    %get3A_6 = arith.constant 0 : index
    %get3A_7 = vector.load %arg5[%get3A_5, %get3A_6] : memref<1x16xf32, #tpu.memory_space<vmem>>, vector<1x16xf32>
    %get3A_8 = arith.constant 0 : index
    %get3A_9 = arith.constant 0 : index
    %get3A_10 = vector.load %arg0[%get3A_8, %get3A_9] : memref<16384x16xf32, #tpu.memory_space<vmem>>, vector<16384x16xf32>
    %dot_general3A = arith.constant dense<0.000000e+00> : vector<16384x16xf32>
    %dot_general3A_11 = tpu.matmul %get3A_10, %get3A_1, %dot_general3A {dimension_numbers = #tpu.dot_dimension_numbers<[1], [1], [0], [0], [0, 0, 1, 0], [], []>, transpose_lhs_hint = false} : vector<16384x16xf32>, vector<16x16xf32>, vector<16384x16xf32> -> vector<16384x16xf32>
    %add3A = vector.broadcast %get3A_7 : vector<1x16xf32> to vector<16384x16xf32>
    %add3A_12 = arith.addf %dot_general3A_11, %add3A : vector<16384x16xf32>
    %tanh3A = math.tanh %add3A_12 : vector<16384x16xf32>
    %get3A_13 = arith.constant 0 : index
    %get3A_14 = arith.constant 0 : index
    %get3A_15 = vector.load %arg1[%get3A_13, %get3A_14] : memref<16384x16xf32, #tpu.memory_space<vmem>>, vector<16384x16xf32>
    %dot_general3A_16 = arith.constant dense<0.000000e+00> : vector<16384x16xf32>
    %dot_general3A_17 = tpu.matmul %get3A_15, %get3A_1, %dot_general3A_16 {dimension_numbers = #tpu.dot_dimension_numbers<[1], [1], [0], [0], [0, 0, 1, 0], [], []>, transpose_lhs_hint = false} : vector<16384x16xf32>, vector<16x16xf32>, vector<16384x16xf32> -> vector<16384x16xf32>
    %dot_general3A_18 = arith.constant dense<0.000000e+00> : vector<16384x16xf32>
    %dot_general3A_19 = tpu.matmul %tanh3A, %get3A_4, %dot_general3A_18 {dimension_numbers = #tpu.dot_dimension_numbers<[1], [1], [0], [0], [0, 0, 1, 0], [], []>, transpose_lhs_hint = false} : vector<16384x16xf32>, vector<16x16xf32>, vector<16384x16xf32> -> vector<16384x16xf32>
    %add3A_20 = arith.addf %dot_general3A_17, %dot_general3A_19 : vector<16384x16xf32>
    %add3A_21 = vector.broadcast %get3A_7 : vector<1x16xf32> to vector<16384x16xf32>
    %add3A_22 = arith.addf %add3A_20, %add3A_21 : vector<16384x16xf32>
    %tanh3A_23 = math.tanh %add3A_22 : vector<16384x16xf32>
    %get3A_24 = arith.constant 0 : index
    %get3A_25 = arith.constant 0 : index
    %get3A_26 = vector.load %arg2[%get3A_24, %get3A_25] : memref<16384x16xf32, #tpu.memory_space<vmem>>, vector<16384x16xf32>
    %dot_general3A_27 = arith.constant dense<0.000000e+00> : vector<16384x16xf32>
    %dot_general3A_28 = tpu.matmul %get3A_26, %get3A_1, %dot_general3A_27 {dimension_numbers = #tpu.dot_dimension_numbers<[1], [1], [0], [0], [0, 0, 1, 0], [], []>, transpose_lhs_hint = false} : vector<16384x16xf32>, vector<16x16xf32>, vector<16384x16xf32> -> vector<16384x16xf32>
    %dot_general3A_29 = arith.constant dense<0.000000e+00> : vector<16384x16xf32>
    %dot_general3A_30 = tpu.matmul %tanh3A_23, %get3A_4, %dot_general3A_29 {dimension_numbers = #tpu.dot_dimension_numbers<[1], [1], [0], [0], [0, 0, 1, 0], [], []>, transpose_lhs_hint = false} : vector<16384x16xf32>, vector<16x16xf32>, vector<16384x16xf32> -> vector<16384x16xf32>
    %add3A_31 = arith.addf %dot_general3A_28, %dot_general3A_30 : vector<16384x16xf32>
    %add3A_32 = vector.broadcast %get3A_7 : vector<1x16xf32> to vector<16384x16xf32>
    %add3A_33 = arith.addf %add3A_31, %add3A_32 : vector<16384x16xf32>
    %tanh3A_34 = math.tanh %add3A_33 : vector<16384x16xf32>
    %swap3A = arith.constant 0 : index
    %swap3A_35 = arith.constant 0 : index
    %swap3A_36 = vector.load %arg6[%swap3A, %swap3A_35] : memref<16384x16xf32, #tpu.memory_space<vmem>>, vector<16384x16xf32>
    tpu.vector_store %arg6[%swap3A, %swap3A_35], %tanh3A_34 {strides = array<i32>} : memref<16384x16xf32, #tpu.memory_space<vmem>>, vector<16384x16xf32>,
    return
  }
}

</mosaic_0001>

<sc_bundles>
// kernel: gather_offload_async_start.1
scs
__scs_entry_jumppad:
0x0: {  	(pc) =	sbr.rel $0x88, $3  }
0x1: {  	(tag) =	ssettag $0x0;
	lr =	simm.s32 $0x1  }
0x2: {  	[smem:$0x3F99] =	sst lr;
	_ =	strace $0xD0000000  }
0x3: {  	_ = 	snop  }
0x4: {  	_ = 	snop  }
0x5: {  	_ = 	snop  }
0x6: {  	_ = 	snop  }
0x7: {  	_ = 	snop  }
__scs_overlays_trampoline_lowered:
0x8: {  	[smem:$0x3FA8] =	sst s0  }
0x9: {  	[smem:$0x3FA9] =	sst s1  }
0xa: {  	[smem:$0x3FAA] =	sst s2  }
0xb: {  	[smem:$0x3FAB] =	sst s3  }
0xc: {  	[smem:$0x3FAC] =	sst s4  }
0xd: {  	[smem:$0x3FAD] =	sst s5  }
0xe: {  	[smem:$0x3FAE] =	sst s6  }
0xf: {  	[smem:$0x3FAF] =	sst s7  }
0x10: {  	[smem:$0x3FB0] =	sst s8  }
0x11: {  	[smem:$0x3FB1] =	sst s9;
	s0 =	simm.s32 @!p0 $0x0  }
0x12: {  	s1 =	sld [smem:$0x3F97];
	s0 =	simm.s32 @p0 $0x1  }
0x13: {  	[smem:$0x3FB2] =	sst s0;
	s0 =	simm.s32 @!p1 $0x0  }
0x14: {  	s2 =	sld [smem:$0x3F96];
	s0 =	simm.s32 @p1 $0x1  }
0x15: {  	[smem:$0x3FB3] =	sst s0;
	s0 =	simm.s32 @!p2 $0x0  }
0x16: {  	s3 =	sld [smem:$0x3FDB];
	s0 =	simm.s32 @p2 $0x1  }
0x17: {  	s4 =	simm.s32 $0x1BF5;
	[smem:$0x3FB5] =	sst s0  }
0x18: {  	s0 =	sld [smem:$0x3F98];
	_ =	swait.ge [sflag:s4], $0x0  }
0x19: {  	s7 =	sld [smem:$0x3F99]  }
0x1a: {  	s8 =	sadd.s32 $0xFFFFE003, lr  }
0x1b: {  	s9 =	sadd.s32 $0xFFFFFEF7, lr;
	s5 =	simm.s32 $0xFFFFFFFF;
	p2 =	slt.u32 s8, $0xFFFFF086  }
0x1c: {  	p1 =	slt.u32 s9, $0xF7A;
	s5 =	simm.s32 @!p2 $0x0  }
0x1d: {  	s5 =	simm.s32 @p1 $0x1;
	p0 =	seq.s32 s7, s2  }
0x1e: {  	s7 =	smul.u32 @!p0 $0xF7A, s2;
	p2 =	seq.s32 @!p0 s5, $0x0  }
0x1f: {  	s9 =	smul.u32 $0xF7A, s1;
	s8 =	simm.s32 @!p0 $0x1BF5;
	p2 =	por !p2, p0  }
0x20: {  	[sflag:s8] =	ssyncset.s32 @!p0 $0xFFFFF086;
	s6 =	sadd.s32 @!p0 s3, s7;
	s7 =	simm.s32 @!p0 $0x108  }
0x21: {  	s3 =	sadd.s32 s3, s9;
	s6 =	sadd.s32 @!p0 $0x88, s6;
	s7 =	simm.s32 @p2 $0x1082  }
0x22: {  	[simem:s7], [sflag:s8] =	dma.local @!p0 [hbm:s6], $0xF7A  }
0x23: {  	s9 =	sor.u32 $0xD0000000, s2;
	s6 =	simm.s32 $0x108;
	_ =	swait.ge @!p0 [sflag:s8], $0x0  }
0x24: {  	s3 =	sadd.s32 $0x88, s3;
	s6 =	simm.s32 @!p1 $0x1082;
	[sflag:s4] =	ssyncset.s32 $0xFFFFF086  }
0x25: {  	[simem:s6], [sflag:s4] =	dma.local [hbm:s3], $0xF7A  }
0x26: {  	[smem:$0x3F99] =	sst s1;
	(tag) =	ssettag s2;
	_ =	strace s9  }
0x27: {  	s1 =	sld [smem:$0x3FA9]  }
0x28: {  	s2 =	sld [smem:$0x3FAA]  }
0x29: {  	s4 =	sld [smem:$0x3FAC]  }
0x2a: {  	p0 =	seq.s32 s5, $0x0;
	s5 =	sld [smem:$0x3FAD]  }
0x2b: {  	s6 =	sld [smem:$0x3FAE]  }
0x2c: {  	s7 =	sld [smem:$0x3FAF]  }
0x2d: {  	s3 =	simm.s32 $0x108;
	s8 =	sld [smem:$0x3FB0]  }
0x2e: {  	s3 =	simm.s32 @!p0 $0x1082;
	s9 =	sld [smem:$0x3FB1]  }
0x2f: {  	lr =	sadd.s32 s0, s3;
	s0 =	sld [smem:$0x3FA8]  }
0x30: {  	s3 =	sld [smem:$0x3FAB]  }
0x31: {  	[smem:$0x3FB4] =	sst s10  }
0x32: {  	s10 =	sld [smem:$0x3FB2];
	_ =	sdelay $0x3  }
0x33: {  	p0 =	seq.s32 s10, $0x1;
	s10 =	sld [smem:$0x3FB4];
	_ =	sdelay $0x3  }
0x34: {  	[smem:$0x3FB4] =	sst s10  }
0x35: {  	s10 =	sld [smem:$0x3FB3];
	_ =	sdelay $0x3  }
0x36: {  	p1 =	seq.s32 s10, $0x1;
	s10 =	sld [smem:$0x3FB4];
	_ =	sdelay $0x3  }
0x37: {  	[smem:$0x3FB4] =	sst s10  }
0x38: {  	s10 =	sld [smem:$0x3FB5]  }
0x39: {  	_ = 	snop;
	(pc) =	sbr.ind lr, $3  }
0x3a: {  	_ = 	snop  }
0x3b: {  	_ = 	snop  }
0x3c: {  	p2 =	seq.s32 s10, $0x1;
	s10 =	sld [smem:$0x3FB4]  }
0x3d: {  	_ =	shalt  }
0x3e: {  	_ =	shalt  }
0x3f: {  	_ =	shalt  }
0x40: {  	_ =	shalt  }
0x41: {  	_ =	shalt  }
0x42: {  	_ =	shalt  }
0x43: {  	_ =	shalt  }
0x44: {  	_ =	shalt  }
0x45: {  	_ =	shalt  }
0x46: {  	_ =	shalt  }
0x47: {  	_ =	shalt  }
0x48: {  	_ =	shalt  }
0x49: {  	_ =	shalt  }
0x4a: {  	_ =	shalt  }
0x4b: {  	_ =	shalt  }
0x4c: {  	_ =	shalt  }
0x4d: {  	_ =	shalt  }
0x4e: {  	_ =	shalt  }
0x4f: {  	_ =	shalt  }
0x50: {  	_ =	shalt  }
0x51: {  	_ =	shalt  }
0x52: {  	_ =	shalt  }
0x53: {  	_ =	shalt  }
0x54: {  	_ =	shalt  }
0x55: {  	_ =	shalt  }
0x56: {  	_ =	shalt  }
0x57: {  	_ =	shalt  }
0x58: {  	_ =	shalt  }
0x59: {  	_ =	shalt  }
0x5a: {  	_ =	shalt  }
0x5b: {  	_ =	shalt  }
0x5c: {  	_ =	shalt  }
0x5d: {  	_ =	shalt  }
0x5e: {  	_ =	shalt  }
0x5f: {  	_ =	shalt  }
0x60: {  	_ =	shalt  }
0x61: {  	_ =	shalt  }
0x62: {  	_ =	shalt  }
0x63: {  	_ =	shalt  }
0x64: {  	_ =	shalt  }
0x65: {  	_ =	shalt  }
0x66: {  	_ =	shalt  }
0x67: {  	_ =	shalt  }
0x68: {  	_ =	shalt  }
0x69: {  	_ =	shalt  }
0x6a: {  	_ =	shalt  }
0x6b: {  	_ =	shalt  }
0x6c: {  	_ =	shalt  }
0x6d: {  	_ =	shalt  }
0x6e: {  	_ =	shalt  }
0x6f: {  	_ =	shalt  }
0x70: {  	_ =	shalt  }
0x71: {  	_ =	shalt  }
0x72: {  	_ =	shalt  }
0x73: {  	_ =	shalt  }
0x74: {  	_ =	shalt  }
0x75: {  	_ =	shalt  }
0x76: {  	_ =	shalt  }
0x77: {  	_ =	shalt  }
0x78: {  	_ =	shalt  }
0x79: {  	_ =	shalt  }
0x7a: {  	_ =	shalt  }
0x7b: {  	_ =	shalt  }
0x7c: {  	_ =	shalt  }
0x7d: {  	_ =	shalt  }
0x7e: {  	_ =	shalt  }
0x7f: {  	_ =	shalt  }
0x80: {  	_ =	shalt  }
0x81: {  	_ =	shalt  }
0x82: {  	_ =	shalt  }
0x83: {  	_ =	shalt  }
0x84: {  	_ =	shalt  }
0x85: {  	_ =	shalt  }
0x86: {  	_ =	shalt  }
0x87: {  	_ =	shalt  }
.Lfunc_end0:
.L_simem_size_0:
called_computation.1_lowered:
.L_overlay_start_0:
0x88: {  	s2 =	sld [smem:$0x3FD9]  }
0x89: {  	s3 =	sld [smem:$0x3FFE];
	_ =	sdelay $0x1  }
0x8a: {  	s1 =	srdreg.scid  }
0x8b: {  	s0 =	sand.u32 $0x1, s1  }
0x8c: {  	s16 =	sshll.u32 s0, $0xA;
	s2 =	sadd.s32 s3, s2  }
0x8d: {  	s2 =	sadd.s32 s2, s16  }
0x8e: {  	[smem:$0x3FC0] =	sst s2  }
0x8f: {  	_ = 	snop  }
0x90: {  	(tm) =	ssettm $0x1  }
0x91: {  	s17 =	sld [smem:$0x3FFB];
	_ =	sdelay $0x3  }
0x92: {  	_ =	strace s17  }
0x93: {  	s2 =	sld [smem:$0x3FFC];
	_ =	sdelay $0x3  }
0x94: {  	_ =	strace s2  }
0x95: {  	s2 =	sld [smem:$0x3FFD];
	_ =	sdelay $0x3  }
0x96: {  	_ =	strace s2  }
0x97: {  	_ =	strace $0x8FFFFFFF  }
0x98: {  	s18 =	sld [smem:$0x3FDB];
	_ =	sdelay $0x1  }
0x99: {  	s19 =	simm.s32 $_scs_section_size  }
0x9a: {  	s4 =	simm.s32 $_size__tile_overlayer_lowered;
	s5 =	simm.s32 $_tile_overlayer_lowered  }
0x9b: {  	s22 =	simm.s32 $0x1BFF;
	s21 =	sshll.u32 s5, $0x1;
	s2 =	sadd.s32 s19, s18  }
0x9c: {  	s6 =	simm.s32 $0x0;
	s20 =	sshll.u32 s4, $0x1;
	s4 =	sadd.s32 s21, s2  }
0x9d: {  	[timem:s6], [sflag:s22] =	dma.local [hbm:s4], s20  }
0x9e: {  	_ =	swait.ge [sflag:s22], s20  }
0x9f: {  	s3 =	ssub.s32 $0x0, s20;
	[sflag:s22] =	ssyncset.done $0x0  }
0xa0: {  	[sflag:s22] =	ssyncadd.s32 s3;
	_ =	sdelay $0x1  }
0xa1: {  	s23 =	simm.s32 $0x1B8B  }
0xa2: {  	_ =	swait.ge [sflag:s23], $0x1  }
0xa3: {  	[sflag:s23] =	ssyncset.done $0x0  }
0xa4: {  	s25 =	simm.s32 $0x1B8E;
	s24 =	sld [smem:$0x3FFE];
	[sflag:s23] =	ssyncadd.s32 $0xFFFFFFFF  }
0xa5: {  	s26 =	simm.s32 $execute0_lowered;
	[smem:$0x3FD2] =	sst s25  }
0xa6: {  	s4 =	sshll.u32 s26, $0x1;
	_ =	strace $0x8000004C;
	[dreg:$0x1] =	wrdreg $0xFFFFFFFF  }
0xa7: {  	s28 =	simm.s32 $_size_execute0_lowered;
	s2 =	sadd.s32 s2, s4;
	[dreg:$0x0] =	wrdreg $0x0  }
0xa8: {  	s4 =	sshll.u32 s28, $0x1;
	[dreg:$0x2] =	wrdreg s2  }
0xa9: {  	[dreg:$0x3] =	wrdreg s4  }
0xaa: {  	[dreg:$0x4] =	wrdreg $0xC0  }
0xab: {  	_ =	task [dreg:s6], $0x5FFFF  }
0xac: {  	[dreg:$0x1] =	wrdreg $0xFFFFFFFF  }
0xad: {  	[dreg:$0x0] =	wrdreg $0x60  }
0xae: {  	[dreg:$0x2] =	wrdreg s24  }
0xaf: {  	[dreg:$0x3] =	wrdreg $0x9  }
0xb0: {  	_ =	task.clear_ibuf [dreg:s6], $0x4FFFF;
	_ =	strace $0x9000004C  }
0xb1: {  	s29 =	simm.s32 $0x9;
	_ =	strace $0x8000004E  }
0xb2: {  	_ =	swait.ge [sflag:s29], $0x1  }
0xb3: {  	[sflag:s29] =	ssyncadd.s32 $0xFFFFFFFF  }
0xb4: {  	_ =	strace $0x9000004E  }
0xb5: {  	_ =	sfence  }
0xb6: {  	s30 =	sld [smem:$0x0];
	_ =	sdelay $0x2  }
0xb7: {  	s31 =	sshll.u32 s1, $0xD;
	s1 =	sshrl.u32 s1, $0x2  }
0xb8: {  	s3 =	sand.u32 $0x4000, s31;
	s1 =	sadd.s32 s1, s30  }
0xb9: {  	s0 =	sor.u32 s3, s0;
	s1 =	sshll.u32 s1, $0x11  }
0xba: {  	s0 =	sor.u32 s1, s0  }
0xbb: {  	s0 =	sadd.s32 $0x8F2B, s0  }
0xbc: {  	[sflag:s0] =	ssyncadd.remote.s32 $0x1  }
0xbd: {  	_ =	sfence.sel $0xFFFF  }
0xbe: {  	[dreg:$0x0] =	wrdreg $0xFFFFFFFF;
	(pc) =	sbr.abs _section_cstart, $3  }
0xbf: {  	[dreg:$0x1] =	wrdreg $0xFFFFFFFF  }
0xc0: {  	_ =	task.clear_ibuf [dreg:s6], $0x2FFFF;
	_ =	strace $0x9FFFFFFF  }
0xc1: {  	(tm) =	ssettm $0x7FFFFFFF  }
tec
execute0_lowered:
.L_overlay_start_1:
0x0: {  	(tag) =	ssettag $0x1  }
0x1: {  	s7 =	rddreg [dreg:$0x0]  }
0x2: {  	s0 =	rddreg [dreg:$0x1];
	_ =	strace $0x8000004D  }
0x3: {  	s1 =	srdreg.scid;
	s4 =	simm.s32 $0x1;
	s9 =	simm.s32 $0x3  }
0x4: {  	s11 =	simm.s32 $0x0;
	p0 =	por $0x0, $0x0;
	s5 =	sshll.u32 s1, $0x4  }
.Ltmp0:
0x5: {  	s1 =	stileid.u32;
	s5 =	sand.u32 $0x10, s5;
	(pc) =	sbr.rel .LBB2_1-.Ltmp0, $4  }
0x6: {  	s2 =	sadd.s32 $0x21A00, s7;
	s3 =	sadd.s32 $0x3000, s7;
	s6 =	sor.u32 s1, s5  }
0x7: {  	[sflag:s4] =	ssyncpa.u1 $0x0;
	s5 =	simm.s32 $0x2;
	s6 =	sshll.u32 s6, $0x9  }
0x8: {  	s7 =	sadd.s32 $0x62200, s7;
	[sflag:s5] =	ssyncpa.u1 $0x0;
	s8 =	sadd.s32 $0x200, s6  }
0x9: {  	vm0 =	vmmov $0xff;
	vm1 =	vcmask $0x3F20;
	[sflag:s9] =	ssyncpa.u1 $0x0;
	s10 =	smov.u32 s6;
	s9 =	simm.s32 $0x0  }
.LBB2_7:
0xa: {  	p1 =	slt.u32 s9, $0x2;
	s11 =	sadd.s32 $0x100, s10  }
0xb: {  	s13 =	smov.u32 s6;
	s9 =	sadd.s32 $0x1, s9;
	p2 =	slt.s32 s11, s8  }
0xc: {  	s13 =	smov.u32 @p2 s11;
	p2 =	sne.s32 s9, $0x4  }
.Ltmp1:
0xd: {  	_ = 	snop;
	(pc) =	sbr.rel @!p2 .LBB2_8-.Ltmp1, $4  }
0xe: {  	s12 =	simm.s32 @!p1 $0x3  }
0xf: {  	_ =	swait.ge @!p1 [sflag:s12], $0x8000  }
0x10: {  	p0 =	por !p0, !p0;
	[sflag:s12] =	ssyncset.done @!p1 $0x0  }
0x11: {  	s11 =	smov.u32 s10;
	s10 =	smov.u32 s13;
	[sflag:s12] =	ssyncadd.s32 @!p1 $0xFFFF8000  }
.LBB2_1:
0x12: {  	p1 =	sgt.u32 s9, $0x1  }
0x13: {  	s12 =	sshll.u32 @!p1 s9, $0x8;
	s13 =	sshrl.u32 @!p1 s10, $0x3  }
0x14: {  	s14 =	sand.u32 @!p1 $0x7, s10;
	s12 =	sxor.u32 @!p1 $0x100, s12;
	s13 =	sadd.s32 @!p1 s3, s13  }
0x15: {  	[tilespmem:s12], [sflag:$0x2] =	stream.linear.gather @!p1 [hbm4b:s13+s14], $0x100, $0x38;
	[tilespmem:$0x10200] =	vst v63  }
0x16: {  	p1 =	seq.s32 s9, $0x0  }
0x17: {  	p2 =	seq.s32 @!p1 s9, $0x3  }
0x18: {  	p1 =	por p1, p2  }
.Ltmp2:
0x19: {  	_ = 	snop;
	(pc) =	sbr.rel @p1 .LBB2_7-.Ltmp2, $1  }
0x1a: {  	_ =	sdelay $0x3  }
0x1b: {  	s12 =	simm.s32 $0x1  }
0x1c: {  	_ =	swait.ge [sflag:s5], $0x100;
	s12 =	simm.s32 @!p0 $0x0  }
0x1d: {  	[sflag:s5] =	ssyncset.done $0x0;
	s14 =	sshll.u32 s12, $0x8  }
0x1e: {  	[sflag:s5] =	ssyncadd.s32 $0xFFFFFF00;
	s13 =	sadd.s32 $0x0, s14  }
0x1f: {  	v0 =	vld.msk [tilespmem:s13+$0x0 ss:$0x1], $0xffff;
	_ =	sdelay $0x4  }
0x20: {  	vm2 =	vgt.s32 v0, $0x0  }
0x21: {  	v0 =	vnsel vm2, $0x0, v0  }
0x22: {  	v0 =	vmin.u32 v0, $0x3FFF  }
0x23: {  	v0 =	vshll.u32 v0, $0x4;
	_ =	sdelay $0x2  }
0x24: {  	s12 =	sshll.u32 s12, $0xF  }
0x25: {  	s12 =	sor.u32 $0x200, s12  }
0x26: {  	[tilespmem:s12], [sflag:$0x1] =	stream.indirect_vreg.gather [hbm:s2], $0x80, v0, vm0, $0x38;
	[tilespmem:$0x10200] =	vst v63  }
0x27: {  	s15 =	sadd.s32 $0x10, s14;
	s13 =	sadd.s32 $0x400, s12  }
0x28: {  	[tilespmem:s13], [sflag:$0x1] =	stream.indirect_vreg.gather [hbm:s2], $0x80, v0, vm1, $0x38;
	[tilespmem:$0x10200] =	vst v63  }
0x29: {  	s16 =	simm.s32 $0x80;
	v0 =	vld.msk [tilespmem:s15+$0x0 ss:$0x1], $0xffff;
	s15 =	smov.u32 s12  }
.LBB2_3:
0x2a: {  	p1 =	sne.s32 s16, $0x3C0;
	_ =	sdelay $0x4  }
0x2b: {  	vm2 =	vgt.s32 v0, $0x0  }
0x2c: {  	v0 =	vnsel vm2, $0x0, v0  }
0x2d: {  	v0 =	vmin.u32 v0, $0x3FFF  }
0x2e: {  	v0 =	vshll.u32 v0, $0x4;
	_ =	sdelay $0x3  }
.Ltmp3:
0x2f: {  	s17 =	sshra.s32 s16, $0x2;
	s15 =	sadd.s32 $0x800, s15;
	(pc) =	sbr.rel @p1 .LBB2_3-.Ltmp3, $4  }
0x30: {  	[tilespmem:s15], [sflag:$0x1] =	stream.indirect_vreg.gather [hbm:s2], $0x80, v0, vm0, $0x38;
	[tilespmem:$0x10200] =	vst v63  }
0x31: {  	s17 =	sadd.s32 s17, s14;
	s18 =	sadd.s32 $0x400, s15  }
0x32: {  	[tilespmem:s18], [sflag:$0x1] =	stream.indirect_vreg.gather [hbm:s2], $0x80, v0, vm1, $0x38;
	[tilespmem:$0x10200] =	vst v63  }
0x33: {  	s16 =	sadd.s32 $0x40, s16;
	v0 =	vld.msk [tilespmem:s17+$0x0 ss:$0x1], $0xffff  }
0x34: {  	_ =	sdelay $0x3  }
0x35: {  	vm2 =	vgt.s32 v0, $0x0  }
0x36: {  	v0 =	vnsel vm2, $0x0, v0  }
0x37: {  	v0 =	vmin.u32 v0, $0x3FFF  }
0x38: {  	v0 =	vshll.u32 v0, $0x4;
	_ =	sdelay $0x3  }
0x39: {  	s14 =	sadd.s32 $0x800, s15  }
0x3a: {  	[tilespmem:s14], [sflag:$0x1] =	stream.indirect_vreg.gather [hbm:s2], $0x80, v0, vm0, $0x38;
	[tilespmem:$0x10200] =	vst v63  }
0x3b: {  	s14 =	sadd.s32 $0x400, s14  }
0x3c: {  	[tilespmem:s14], [sflag:$0x1] =	stream.indirect_vreg.gather [hbm:s2], $0x80, v0, vm1, $0x38;
	[tilespmem:$0x10200] =	vst v63  }
0x3d: {  	s11 =	sshll.u32 s11, $0x4;
	_ =	swait.ge [sflag:s4], $0x8000  }
0x3e: {  	s11 =	sadd.s32 s11, s7;
	[sflag:s4] =	ssyncset.done $0x0  }
0x3f: {  	s15 =	sadd.s32 $0x0, s11;
	s14 =	simm.s32 $0x80;
	[sflag:s4] =	ssyncadd.s32 $0xFFFF8000  }
.LBB2_5:
0x40: {  	[hbm:s15] =	stream.linear.scatter [tilespmem:s12], [sflag:$0x3], $0x400, $0x38;
	[tilespmem:$0x10200] =	vst v63  }
0x41: {  	s15 =	smov.u32 s14;
	s12 =	smov.u32 s13;
	p1 =	sne.s32 s14, $0xF80  }
.Ltmp4:
0x42: {  	s14 =	sadd.s32 $0x80, s14;
	(pc) =	sbr.rel @p1 .LBB2_5-.Ltmp4, $2  }
0x43: {  	_ =	sdelay $0x2  }
0x44: {  	s13 =	sadd.s32 $0x400, s13;
	s15 =	sadd.s32 s15, s11  }
.Ltmp5:
0x45: {  	(pc) =	sbr.rel .LBB2_7-.Ltmp5, $2  }
0x46: {  	_ =	sdelay $0x2  }
0x47: {  	[hbm:s15] =	stream.linear.scatter [tilespmem:s12], [sflag:$0x3], $0x400, $0x38;
	[tilespmem:$0x10200] =	vst v63  }
.LBB2_8:
0x48: {  	_ =	sfence.sel $0x180000  }
0x49: {  	s2 =	simm.s32 $0x2;
	[bflag:$0x0] =	sbarrier.arrive $0xFFFF  }
0x4a: {  	s30 =	simm.s32 $0x3;
	[sflag:s2] =	ssyncpa.u1 $0x1  }
0x4b: {  	s31 =	simm.s32 $0x1;
	[sflag:s30] =	ssyncpa.u1 $0x1  }
0x4c: {  	[sflag:s31] =	ssyncpa.u1 $0x1  }
0x4d: {  	p0 =	sne.s32 s1, $0x0;
	_ =	strace $0x9000004D  }
0x4e: {  	s0 =	sadd.s32 @!p0 $0x100000, s0;
	[bflag:$0x2] =	sbarrier.arrive $0xFFFF  }
0x4f: {  	[sflag:s0] =	ssyncadd.tile.s32 @!p0 $0x1;
	_ =	shalt  }
.Lfunc_end2:
_tile_overlayer_lowered:
.L_overlay_start_2:
0x50: {  	(tag) =	ssettag $0x2  }
0x51: {  	s0 =	rddreg [dreg:$0x0];
	s2 =	stileid.u32  }
0x52: {  	s1 =	rddreg [dreg:$0x1];
	p0 =	sne.s32 s2, $0x0  }
0x53: {  	s3 =	rddreg [dreg:$0x2];
	[bflag:$0x3] =	sbarrier.arrive $0xFFFF;
	s2 =	simm.s32 @!p0 $0x1C01  }
0x54: {  	[timem:s3], [sflag:s2] =	dma.local @!p0 [hbm:s0], s1  }
0x55: {  	s0 =	simm.s32 @!p0 $0x1  }
0x56: {  	_ =	swait.ge @!p0 [sflag:s0], s1  }
0x57: {  	s1 =	ssub.s32 @!p0 $0x0, s1;
	[sflag:s0] =	ssyncset.done @!p0 $0x0  }
0x58: {  	[sflag:s0] =	ssyncadd.s32 @!p0 s1  }
0x59: {  	[bflag:$0x3] =	sbarrier.arrive $0xFFFF  }
0x5a: {  	_ =	shalt  }

// kernel: gather_offload_async_start.2
scs
__scs_entry_jumppad:
0x0: {  	(pc) =	sbr.rel $0x88, $3  }
0x1: {  	(tag) =	ssettag $0x0;
	lr =	simm.s32 $0x1  }
0x2: {  	[smem:$0x3F99] =	sst lr;
	_ =	strace $0xD0000000  }
0x3: {  	_ = 	snop  }
0x4: {  	_ = 	snop  }
0x5: {  	_ = 	snop  }
0x6: {  	_ = 	snop  }
0x7: {  	_ = 	snop  }
__scs_overlays_trampoline_lowered:
0x8: {  	[smem:$0x3FA8] =	sst s0  }
0x9: {  	[smem:$0x3FA9] =	sst s1  }
0xa: {  	[smem:$0x3FAA] =	sst s2  }
0xb: {  	[smem:$0x3FAB] =	sst s3  }
0xc: {  	[smem:$0x3FAC] =	sst s4  }
0xd: {  	[smem:$0x3FAD] =	sst s5  }
0xe: {  	[smem:$0x3FAE] =	sst s6  }
0xf: {  	[smem:$0x3FAF] =	sst s7  }
0x10: {  	[smem:$0x3FB0] =	sst s8  }
0x11: {  	[smem:$0x3FB1] =	sst s9;
	s0 =	simm.s32 @!p0 $0x0  }
0x12: {  	s1 =	sld [smem:$0x3F97];
	s0 =	simm.s32 @p0 $0x1  }
0x13: {  	[smem:$0x3FB2] =	sst s0;
	s0 =	simm.s32 @!p1 $0x0  }
0x14: {  	s2 =	sld [smem:$0x3F96];
	s0 =	simm.s32 @p1 $0x1  }
0x15: {  	[smem:$0x3FB3] =	sst s0;
	s0 =	simm.s32 @!p2 $0x0  }
0x16: {  	s3 =	sld [smem:$0x3FDB];
	s0 =	simm.s32 @p2 $0x1  }
0x17: {  	s4 =	simm.s32 $0x1BF5;
	[smem:$0x3FB5] =	sst s0  }
0x18: {  	s0 =	sld [smem:$0x3F98];
	_ =	swait.ge [sflag:s4], $0x0  }
0x19: {  	s7 =	sld [smem:$0x3F99]  }
0x1a: {  	s8 =	sadd.s32 $0xFFFFE003, lr  }
0x1b: {  	s9 =	sadd.s32 $0xFFFFFEF7, lr;
	s5 =	simm.s32 $0xFFFFFFFF;
	p2 =	slt.u32 s8, $0xFFFFF086  }
0x1c: {  	p1 =	slt.u32 s9, $0xF7A;
	s5 =	simm.s32 @!p2 $0x0  }
0x1d: {  	s5 =	simm.s32 @p1 $0x1;
	p0 =	seq.s32 s7, s2  }
0x1e: {  	s7 =	smul.u32 @!p0 $0xF7A, s2;
	p2 =	seq.s32 @!p0 s5, $0x0  }
0x1f: {  	s9 =	smul.u32 $0xF7A, s1;
	s8 =	simm.s32 @!p0 $0x1BF5;
	p2 =	por !p2, p0  }
0x20: {  	[sflag:s8] =	ssyncset.s32 @!p0 $0xFFFFF086;
	s6 =	sadd.s32 @!p0 s3, s7;
	s7 =	simm.s32 @!p0 $0x108  }
0x21: {  	s3 =	sadd.s32 s3, s9;
	s6 =	sadd.s32 @!p0 $0x88, s6;
	s7 =	simm.s32 @p2 $0x1082  }
0x22: {  	[simem:s7], [sflag:s8] =	dma.local @!p0 [hbm:s6], $0xF7A  }
0x23: {  	s9 =	sor.u32 $0xD0000000, s2;
	s6 =	simm.s32 $0x108;
	_ =	swait.ge @!p0 [sflag:s8], $0x0  }
0x24: {  	s3 =	sadd.s32 $0x88, s3;
	s6 =	simm.s32 @!p1 $0x1082;
	[sflag:s4] =	ssyncset.s32 $0xFFFFF086  }
0x25: {  	[simem:s6], [sflag:s4] =	dma.local [hbm:s3], $0xF7A  }
0x26: {  	[smem:$0x3F99] =	sst s1;
	(tag) =	ssettag s2;
	_ =	strace s9  }
0x27: {  	s1 =	sld [smem:$0x3FA9]  }
0x28: {  	s2 =	sld [smem:$0x3FAA]  }
0x29: {  	s4 =	sld [smem:$0x3FAC]  }
0x2a: {  	p0 =	seq.s32 s5, $0x0;
	s5 =	sld [smem:$0x3FAD]  }
0x2b: {  	s6 =	sld [smem:$0x3FAE]  }
0x2c: {  	s7 =	sld [smem:$0x3FAF]  }
0x2d: {  	s3 =	simm.s32 $0x108;
	s8 =	sld [smem:$0x3FB0]  }
0x2e: {  	s3 =	simm.s32 @!p0 $0x1082;
	s9 =	sld [smem:$0x3FB1]  }
0x2f: {  	lr =	sadd.s32 s0, s3;
	s0 =	sld [smem:$0x3FA8]  }
0x30: {  	s3 =	sld [smem:$0x3FAB]  }
0x31: {  	[smem:$0x3FB4] =	sst s10  }
0x32: {  	s10 =	sld [smem:$0x3FB2];
	_ =	sdelay $0x3  }
0x33: {  	p0 =	seq.s32 s10, $0x1;
	s10 =	sld [smem:$0x3FB4];
	_ =	sdelay $0x3  }
0x34: {  	[smem:$0x3FB4] =	sst s10  }
0x35: {  	s10 =	sld [smem:$0x3FB3];
	_ =	sdelay $0x3  }
0x36: {  	p1 =	seq.s32 s10, $0x1;
	s10 =	sld [smem:$0x3FB4];
	_ =	sdelay $0x3  }
0x37: {  	[smem:$0x3FB4] =	sst s10  }
0x38: {  	s10 =	sld [smem:$0x3FB5]  }
0x39: {  	_ = 	snop;
	(pc) =	sbr.ind lr, $3  }
0x3a: {  	_ = 	snop  }
0x3b: {  	_ = 	snop  }
0x3c: {  	p2 =	seq.s32 s10, $0x1;
	s10 =	sld [smem:$0x3FB4]  }
0x3d: {  	_ =	shalt  }
0x3e: {  	_ =	shalt  }
0x3f: {  	_ =	shalt  }
0x40: {  	_ =	shalt  }
0x41: {  	_ =	shalt  }
0x42: {  	_ =	shalt  }
0x43: {  	_ =	shalt  }
0x44: {  	_ =	shalt  }
0x45: {  	_ =	shalt  }
0x46: {  	_ =	shalt  }
0x47: {  	_ =	shalt  }
0x48: {  	_ =	shalt  }
0x49: {  	_ =	shalt  }
0x4a: {  	_ =	shalt  }
0x4b: {  	_ =	shalt  }
0x4c: {  	_ =	shalt  }
0x4d: {  	_ =	shalt  }
0x4e: {  	_ =	shalt  }
0x4f: {  	_ =	shalt  }
0x50: {  	_ =	shalt  }
0x51: {  	_ =	shalt  }
0x52: {  	_ =	shalt  }
0x53: {  	_ =	shalt  }
0x54: {  	_ =	shalt  }
0x55: {  	_ =	shalt  }
0x56: {  	_ =	shalt  }
0x57: {  	_ =	shalt  }
0x58: {  	_ =	shalt  }
0x59: {  	_ =	shalt  }
0x5a: {  	_ =	shalt  }
0x5b: {  	_ =	shalt  }
0x5c: {  	_ =	shalt  }
0x5d: {  	_ =	shalt  }
0x5e: {  	_ =	shalt  }
0x5f: {  	_ =	shalt  }
0x60: {  	_ =	shalt  }
0x61: {  	_ =	shalt  }
0x62: {  	_ =	shalt  }
0x63: {  	_ =	shalt  }
0x64: {  	_ =	shalt  }
0x65: {  	_ =	shalt  }
0x66: {  	_ =	shalt  }
0x67: {  	_ =	shalt  }
0x68: {  	_ =	shalt  }
0x69: {  	_ =	shalt  }
0x6a: {  	_ =	shalt  }
0x6b: {  	_ =	shalt  }
0x6c: {  	_ =	shalt  }
0x6d: {  	_ =	shalt  }
0x6e: {  	_ =	shalt  }
0x6f: {  	_ =	shalt  }
0x70: {  	_ =	shalt  }
0x71: {  	_ =	shalt  }
0x72: {  	_ =	shalt  }
0x73: {  	_ =	shalt  }
0x74: {  	_ =	shalt  }
0x75: {  	_ =	shalt  }
0x76: {  	_ =	shalt  }
0x77: {  	_ =	shalt  }
0x78: {  	_ =	shalt  }
0x79: {  	_ =	shalt  }
0x7a: {  	_ =	shalt  }
0x7b: {  	_ =	shalt  }
0x7c: {  	_ =	shalt  }
0x7d: {  	_ =	shalt  }
0x7e: {  	_ =	shalt  }
0x7f: {  	_ =	shalt  }
0x80: {  	_ =	shalt  }
0x81: {  	_ =	shalt  }
0x82: {  	_ =	shalt  }
0x83: {  	_ =	shalt  }
0x84: {  	_ =	shalt  }
0x85: {  	_ =	shalt  }
0x86: {  	_ =	shalt  }
0x87: {  	_ =	shalt  }
.Lfunc_end0:
.L_simem_size_0:
called_computation.2_lowered:
.L_overlay_start_0:
0x88: {  	s2 =	sld [smem:$0x3FD9]  }
0x89: {  	s3 =	sld [smem:$0x3FFE];
	_ =	sdelay $0x1  }
0x8a: {  	s1 =	srdreg.scid  }
0x8b: {  	s0 =	sand.u32 $0x1, s1  }
0x8c: {  	s17 =	sshll.u32 s0, $0xA;
	s2 =	sadd.s32 s3, s2  }
0x8d: {  	s2 =	sadd.s32 s2, s17  }
0x8e: {  	[smem:$0x3FC0] =	sst s2  }
0x8f: {  	_ = 	snop  }
0x90: {  	s4 =	sld [smem:$0x3FC7]  }
0x91: {  	s18 =	sld [smem:$0x3FD0];
	(tm) =	ssettm $0x1  }
0x92: {  	s19 =	sld [smem:$0x3FFB];
	_ =	sdelay $0x3  }
0x93: {  	_ =	strace s19  }
0x94: {  	s2 =	sld [smem:$0x3FFC];
	_ =	sdelay $0x3  }
0x95: {  	_ =	strace s2  }
0x96: {  	s2 =	sld [smem:$0x3FFD];
	_ =	sdelay $0x3  }
0x97: {  	_ =	strace s2  }
0x98: {  	_ =	strace $0x8FFFFFFF  }
0x99: {  	s20 =	sld [smem:$0x3FDB];
	_ =	sdelay $0x1  }
0x9a: {  	s5 =	simm.s32 $_scs_section_size  }
0x9b: {  	s6 =	simm.s32 $_size__tile_overlayer_lowered;
	s7 =	simm.s32 $_tile_overlayer_lowered  }
0x9c: {  	s8 =	simm.s32 $0x1BFF;
	s21 =	sshll.u32 s7, $0x1;
	s5 =	sadd.s32 s5, s20  }
0x9d: {  	s22 =	simm.s32 $0x0;
	s6 =	sshll.u32 s6, $0x1;
	s7 =	sadd.s32 s21, s5  }
0x9e: {  	[timem:s22], [sflag:s8] =	dma.local [hbm:s7], s6  }
0x9f: {  	_ =	swait.ge [sflag:s8], s6  }
0xa0: {  	s6 =	ssub.s32 $0x0, s6;
	[sflag:s8] =	ssyncset.done $0x0  }
0xa1: {  	[sflag:s8] =	ssyncadd.s32 s6;
	_ =	sdelay $0x1  }
0xa2: {  	s23 =	simm.s32 $0x1B8B  }
0xa3: {  	_ =	swait.ge [sflag:s23], $0x1  }
0xa4: {  	[sflag:s23] =	ssyncset.done $0x0  }
0xa5: {  	[sflag:s23] =	ssyncadd.s32 $0xFFFFFFFF  }
0xa6: {  	s6 =	sld [smem:$0x0]  }
0xa7: {  	s7 =	sand.u32 $0xFFFFFFFE, s1  }
0xa8: {  	p0 =	sne.s32 s1, s7  }
0xa9: {  	s7 =	sshll.u32 @p0 s7, $0xE  }
0xaa: {  	s7 =	sadd.s32 @p0 $0x11B8D, s7;
	s8 =	sshll.u32 @p0 s6, $0x11  }
0xab: {  	s7 =	sor.u32 @p0 s8, s7  }
0xac: {  	[sflag:s7] =	ssyncadd.remote.s32 @p0 $0x1;
	_ =	sdelay $0x1  }
0xad: {  	s7 =	simm.s32 @p0 $0x1B8D  }
0xae: {  	_ =	swait.eq @p0 [sflag:s7], $0x1  }
0xaf: {  	[sflag:s7] =	ssyncadd.s32 @p0 $0xFFFFFFFF  }
0xb0: {  	s8 =	sshll.u32 @!p0 s1, $0xE  }
0xb1: {  	s8 =	sor.u32 @!p0 $0x4000, s8;
	s7 =	simm.s32 @!p0 $0x1B8D  }
0xb2: {  	s6 =	sshll.u32 @!p0 s6, $0x11;
	s8 =	sadd.s32 @!p0 $0x11B8D, s8;
	_ =	swait.eq @!p0 [sflag:s7], $0x1  }
0xb3: {  	s6 =	sor.u32 @!p0 s6, s8;
	[sflag:s7] =	ssyncadd.s32 @!p0 $0xFFFFFFFF  }
0xb4: {  	s25 =	simm.s32 $0x1B8E;
	s24 =	sld [smem:$0x3FFE];
	[sflag:s6] =	ssyncadd.remote.s32 @!p0 $0x1  }
0xb5: {  	s26 =	simm.s32 $execute0_lowered;
	[smem:$0x3FD2] =	sst s25  }
0xb6: {  	s7 =	sshll.u32 s26, $0x1;
	_ =	strace $0x80000052;
	[dreg:$0x1] =	wrdreg $0xFFFFFFFF  }
0xb7: {  	s28 =	simm.s32 $_size_execute0_lowered;
	s5 =	sadd.s32 s5, s7;
	[dreg:$0x0] =	wrdreg $0x0  }
0xb8: {  	s7 =	sshll.u32 s28, $0x1;
	[dreg:$0x2] =	wrdreg s5  }
0xb9: {  	[dreg:$0x3] =	wrdreg s7  }
0xba: {  	[dreg:$0x4] =	wrdreg $0xC0  }
0xbb: {  	_ =	task [dreg:s22], $0x5FFFF  }
0xbc: {  	[dreg:$0x1] =	wrdreg $0xFFFFFFFF  }
0xbd: {  	[dreg:$0x0] =	wrdreg $0x60  }
0xbe: {  	[dreg:$0x2] =	wrdreg s4  }
0xbf: {  	[dreg:$0x3] =	wrdreg s24  }
0xc0: {  	[dreg:$0x4] =	wrdreg s18  }
0xc1: {  	[dreg:$0x5] =	wrdreg $0xA  }
0xc2: {  	_ =	task.clear_ibuf [dreg:s22], $0x6FFFF;
	_ =	strace $0x90000052  }
0xc3: {  	s29 =	simm.s32 $0xA;
	_ =	strace $0x80000054  }
0xc4: {  	_ =	swait.ge [sflag:s29], $0x1  }
0xc5: {  	[sflag:s29] =	ssyncadd.s32 $0xFFFFFFFF  }
0xc6: {  	_ =	strace $0x90000054  }
0xc7: {  	_ =	sfence  }
0xc8: {  	s30 =	sld [smem:$0x0];
	_ =	sdelay $0x2  }
0xc9: {  	s31 =	sshll.u32 s1, $0xD;
	s1 =	sshrl.u32 s1, $0x2  }
0xca: {  	s4 =	sand.u32 $0x4000, s31;
	s1 =	sadd.s32 s1, s30  }
0xcb: {  	s0 =	sor.u32 s4, s0;
	s1 =	sshll.u32 s1, $0x11  }
0xcc: {  	s0 =	sor.u32 s1, s0  }
0xcd: {  	s0 =	sadd.s32 $0x8F2B, s0  }
0xce: {  	[sflag:s0] =	ssyncadd.remote.s32 $0x1  }
0xcf: {  	_ =	sfence.sel $0xFFFF  }
0xd0: {  	[dreg:$0x0] =	wrdreg $0xFFFFFFFF;
	(pc) =	sbr.abs _section_cstart, $3  }
0xd1: {  	[dreg:$0x1] =	wrdreg $0xFFFFFFFF  }
0xd2: {  	_ =	task.clear_ibuf [dreg:s22], $0x2FFFF;
	_ =	strace $0x9FFFFFFF  }
0xd3: {  	(tm) =	ssettm $0x7FFFFFFF  }
tec
execute0_lowered:
.L_overlay_start_1:
0x0: {  	(tag) =	ssettag $0x1  }
0x1: {  	s2 =	rddreg [dreg:$0x0];
	s1 =	srdreg.scid  }
0x2: {  	s5 =	rddreg [dreg:$0x1];
	s0 =	stileid.u32  }
0x3: {  	s3 =	rddreg [dreg:$0x2];
	s10 =	simm.s32 $0x3;
	s1 =	sshll.u32 s1, $0x9  }
0x4: {  	s11 =	simm.s32 $0x0;
	s4 =	sshll.u32 s0, $0xA;
	s6 =	sand.u32 $0x200, s1  }
0x5: {  	s13 =	simm.s32 $0x0;
	s12 =	simm.s32 $0x0;
	s4 =	sor.u32 s4, s6  }
0x6: {  	s1 =	rddreg [dreg:$0x3];
	_ =	strace $0x80000053;
	s6 =	sshrl.u32 s4, $0x3  }
0x7: {  	s7 =	ssub.s32 $0x4000, s4;
	s8 =	sadd.s32 s6, s5;
	s5 =	simm.s32 $0x1  }
.Ltmp0:
0x8: {  	s6 =	simm.s32 $0x2;
	s9 =	sand.u32 $0x3E00, s7;
	(pc) =	sbr.rel .LBB2_1-.Ltmp0, $4  }
0x9: {  	s7 =	sshrl.u32 s7, $0xE;
	p0 =	sne.s32 s9, $0x0;
	s9 =	simm.s32 $0x1  }
0xa: {  	[sflag:s5] =	ssyncpa.u1 $0x0;
	s8 =	sadd.s32 $0x3800, s8;
	s9 =	simm.s32 @!p0 $0x0  }
0xb: {  	[sflag:s6] =	ssyncpa.u1 $0x0;
	p0 =	por $0x0, $0x0;
	s7 =	sadd.s32 s9, s7  }
0xc: {  	vm0 =	vmmov $0xffff;
	[sflag:s10] =	ssyncpa.u1 $0x0;
	s9 =	sadd.s32 $0x4000, s3;
	s10 =	sadd.s32 $0x1, s7  }
.LBB2_4:
0xd: {  	_ =	sdelay $0x3  }
0xe: {  	[tilespmem:s19], [sflag:$0x1] =	stream.indirect_vreg.gather [hbm4b:s2+s11], $0x1, v0, vm0, $0x4038;
	[tilespmem:$0x4400] =	vst v63  }
0xf: {  	s16 =	sshll.u32 s13, $0x3  }
0x10: {  	s30 =	sand.u32 $0x78, s13;
	s16 =	sand.u32 $0x7FFFFC00, s16  }
0x11: {  	_ =	swait.ge [sflag:s5], $0x2000;
	s13 =	sor.u32 s30, s16  }
0x12: {  	[sflag:s5] =	ssyncset.done $0x0;
	s13 =	sshrl.u32 s13, $0x3  }
0x13: {  	[sflag:s5] =	ssyncadd.s32 $0xFFFFE000;
	s31 =	sadd.s32 s3, s13  }
0x14: {  	[hbm:s31] =	stream.linear.scatter [tilespmem:s15], [sflag:$0x3], $0x1000, $0x38;
	[tilespmem:$0x4400] =	vst v63  }
0x15: {  	s14 =	sadd.s32 $0x1400, s14;
	s13 =	sadd.s32 s13, s9  }
0x16: {  	[hbm:s13] =	stream.linear.scatter [tilespmem:s14], [sflag:$0x3], $0x1000, $0x38;
	[tilespmem:$0x4400] =	vst v63  }
.LBB2_5:
0x17: {  	p2 =	sne.s32 s12, s10  }
.Ltmp1:
0x18: {  	p1 =	slt.u32 s12, $0x2;
	(pc) =	sbr.rel @!p2 .LBB2_6-.Ltmp1, $4  }
0x19: {  	s13 =	simm.s32 @!p1 $0x3  }
0x1a: {  	_ =	swait.ge @!p1 [sflag:s13], $0x2000  }
0x1b: {  	s14 =	sadd.s32 $0x1, s12;
	p0 =	por !p0, !p0;
	[sflag:s13] =	ssyncset.done @!p1 $0x0  }
0x1c: {  	s12 =	smov.u32 s14;
	[sflag:s13] =	ssyncadd.s32 @!p1 $0xFFFFE000;
	s13 =	smov.u32 s4  }
.LBB2_1:
0x1d: {  	p1 =	sge.u32 s12, s7  }
0x1e: {  	s14 =	sxor.u32 @!p1 $0xFFFFFFFF, s12  }
0x1f: {  	s14 =	sshll.u32 @!p1 s14, $0x9  }
0x20: {  	s31 =	sadd.s32 $0xFFFFFFFF, s12;
	s15 =	simm.s32 @!p1 $0x0;
	s14 =	sand.u32 @!p1 $0x200, s14  }
0x21: {  	[tilespmem:s14], [sflag:$0x2] =	stream.linear.gather @!p1 [hbm4b:s8+s15], $0x200, $0x38;
	[tilespmem:$0x4400] =	vst v63  }
0x22: {  	p1 =	sge.u32 s31, s7  }
.Ltmp2:
0x23: {  	_ = 	snop;
	(pc) =	sbr.rel @p1 .LBB2_5-.Ltmp2, $1  }
0x24: {  	_ =	sdelay $0x3  }
0x25: {  	s14 =	simm.s32 $0x1;
	_ =	swait.ge [sflag:s6], $0x200  }
0x26: {  	s14 =	simm.s32 @!p0 $0x0;
	[sflag:s6] =	ssyncset.done $0x0  }
0x27: {  	s17 =	sshll.u32 s14, $0x9;
	[sflag:s6] =	ssyncadd.s32 $0xFFFFFE00  }
0x28: {  	v0 =	vld.msk [tilespmem:s17+$0x0 ss:$0x1], $0xffff;
	_ =	sdelay $0x4  }
0x29: {  	vm1 =	vgt.s32 v0, $0x0  }
0x2a: {  	v0 =	vnsel vm1, $0x0, v0  }
0x2b: {  	v0 =	vmin.u32 v0, $0xF423F  }
0x2c: {  	v1 =	vshll.u32 v0, $0x3  }
0x2d: {  	v0 =	vand.u32 $0x7F, v0;
	v1 =	vand.u32 $0x7FFC00, v1  }
0x2e: {  	s30 =	sshll.u32 s12, $0xD;
	v0 =	vor.u32 v0, v1  }
0x2f: {  	s16 =	simm.s32 $0x0;
	s14 =	sand.u32 $0x2000, s30  }
0x30: {  	s18 =	sand.u32 $0xC00, s16;
	s15 =	sor.u32 $0x400, s14  }
0x31: {  	s19 =	sand.u32 $0x70, s16;
	(ifvalue) =	ssetifvalue $0x7FFFFFFF;
	s18 =	sadd.s32 s18, s15;
	v1 =	vor.u32 $0x80, v0  }
0x32: {  	(ifvalue) =	ssetifvalue $0x7FFFFFFF;
	s18 =	sadd.s32 s19, s18  }
0x33: {  	[tilespmem:s18], [sflag:$0x1] =	stream.indirect_vreg.gather [hbm4b:s2+s11], $0x1, v0, vm0, $0x4038;
	[tilespmem:$0x4400] =	vst v63  }
0x34: {  	v2 =	vor.u32 $0x100, v0;
	(ifvalue) =	ssetifvalue $0x7FFFFFFF  }
0x35: {  	s19 =	sadd.s32 $0x80, s18;
	(ifvalue) =	ssetifvalue $0x7FFFFFFF  }
0x36: {  	[tilespmem:s19], [sflag:$0x1] =	stream.indirect_vreg.gather [hbm4b:s2+s11], $0x1, v1, vm0, $0x4038;
	[tilespmem:$0x4400] =	vst v63  }
0x37: {  	v1 =	vor.u32 $0x180, v0;
	(ifvalue) =	ssetifvalue $0x7FFFFFFF  }
0x38: {  	s31 =	sadd.s32 $0x100, s18;
	(ifvalue) =	ssetifvalue $0x7FFFFFFF  }
0x39: {  	[tilespmem:s31], [sflag:$0x1] =	stream.indirect_vreg.gather [hbm4b:s2+s11], $0x1, v2, vm0, $0x4038;
	[tilespmem:$0x4400] =	vst v63  }
0x3a: {  	v2 =	vor.u32 $0x200, v0;
	(ifvalue) =	ssetifvalue $0x7FFFFFFF  }
0x3b: {  	s20 =	sadd.s32 $0x180, s18;
	(ifvalue) =	ssetifvalue $0x7FFFFFFF  }
0x3c: {  	[tilespmem:s20], [sflag:$0x1] =	stream.indirect_vreg.gather [hbm4b:s2+s11], $0x1, v1, vm0, $0x4038;
	[tilespmem:$0x4400] =	vst v63  }
0x3d: {  	(ifvalue) =	ssetifvalue $0x7FFFFFFF;
	v1 =	vor.u32 $0x280, v0  }
0x3e: {  	s21 =	sadd.s32 $0x200, s18;
	(ifvalue) =	ssetifvalue $0x7FFFFFFF  }
0x3f: {  	[tilespmem:s21], [sflag:$0x1] =	stream.indirect_vreg.gather [hbm4b:s2+s11], $0x1, v2, vm0, $0x4038;
	[tilespmem:$0x4400] =	vst v63  }
0x40: {  	(ifvalue) =	ssetifvalue $0x7FFFFFFF;
	v2 =	vor.u32 $0x300, v0  }
0x41: {  	s22 =	sadd.s32 $0x280, s18;
	(ifvalue) =	ssetifvalue $0x7FFFFFFF  }
0x42: {  	[tilespmem:s22], [sflag:$0x1] =	stream.indirect_vreg.gather [hbm4b:s2+s11], $0x1, v1, vm0, $0x4038;
	[tilespmem:$0x4400] =	vst v63  }
0x43: {  	(ifvalue) =	ssetifvalue $0x7FFFFFFF;
	v1 =	vor.u32 $0x380, v0  }
0x44: {  	s16 =	sor.u32 s16, s16;
	s23 =	sadd.s32 $0x300, s18;
	(ifvalue) =	ssetifvalue $0x7FFFFFFF  }
0x45: {  	[tilespmem:s23], [sflag:$0x1] =	stream.indirect_vreg.gather [hbm4b:s2+s11], $0x1, v2, vm0, $0x4038;
	[tilespmem:$0x4400] =	vst v63  }
0x46: {  	s16 =	sor.u32 $0x380, s16;
	(ifvalue) =	ssetifvalue $0x7FFFFFFF;
	v2 =	vadd.s32 $0x7A1400, v0  }
0x47: {  	s16 =	sadd.s32 s16, s15;
	(ifvalue) =	ssetifvalue $0x7FFFFFFF  }
0x48: {  	[tilespmem:s16], [sflag:$0x1] =	stream.indirect_vreg.gather [hbm4b:s2+s11], $0x1, v1, vm0, $0x4038;
	[tilespmem:$0x4400] =	vst v63  }
0x49: {  	(ifvalue) =	ssetifvalue $0x7FFFFFFF;
	v1 =	vadd.s32 $0x7A1480, v0  }
0x4a: {  	s24 =	sadd.s32 $0x1000, s18;
	(ifvalue) =	ssetifvalue $0x7FFFFFFF  }
0x4b: {  	[tilespmem:s24], [sflag:$0x1] =	stream.indirect_vreg.gather [hbm4b:s2+s11], $0x1, v2, vm0, $0x4038;
	[tilespmem:$0x4400] =	vst v63  }
0x4c: {  	(ifvalue) =	ssetifvalue $0x7FFFFFFF;
	v2 =	vadd.s32 $0x7A1500, v0  }
0x4d: {  	s25 =	sadd.s32 $0x1080, s18;
	(ifvalue) =	ssetifvalue $0x7FFFFFFF  }
0x4e: {  	[tilespmem:s25], [sflag:$0x1] =	stream.indirect_vreg.gather [hbm4b:s2+s11], $0x1, v1, vm0, $0x4038;
	[tilespmem:$0x4400] =	vst v63  }
0x4f: {  	(ifvalue) =	ssetifvalue $0x7FFFFFFF;
	v1 =	vadd.s32 $0x7A1580, v0  }
0x50: {  	s26 =	sadd.s32 $0x1100, s18;
	(ifvalue) =	ssetifvalue $0x7FFFFFFF  }
0x51: {  	[tilespmem:s26], [sflag:$0x1] =	stream.indirect_vreg.gather [hbm4b:s2+s11], $0x1, v2, vm0, $0x4038;
	[tilespmem:$0x4400] =	vst v63  }
0x52: {  	(ifvalue) =	ssetifvalue $0x7FFFFFFF;
	v2 =	vadd.s32 $0x7A1600, v0  }
0x53: {  	s28 =	sadd.s32 $0x1180, s18;
	(ifvalue) =	ssetifvalue $0x7FFFFFFF  }
0x54: {  	[tilespmem:s28], [sflag:$0x1] =	stream.indirect_vreg.gather [hbm4b:s2+s11], $0x1, v1, vm0, $0x4038;
	[tilespmem:$0x4400] =	vst v63  }
0x55: {  	(ifvalue) =	ssetifvalue $0x7FFFFFFF;
	v1 =	vadd.s32 $0x7A1680, v0  }
0x56: {  	s29 =	sadd.s32 $0x1200, s18;
	(ifvalue) =	ssetifvalue $0x7FFFFFFF  }
0x57: {  	[tilespmem:s29], [sflag:$0x1] =	stream.indirect_vreg.gather [hbm4b:s2+s11], $0x1, v2, vm0, $0x4038;
	[tilespmem:$0x4400] =	vst v63  }
0x58: {  	(ifvalue) =	ssetifvalue $0x7FFFFFFF;
	v2 =	vadd.s32 $0x7A1700, v0  }
0x59: {  	s30 =	sadd.s32 $0x1280, s18;
	(ifvalue) =	ssetifvalue $0x7FFFFFFF  }
0x5a: {  	[tilespmem:s30], [sflag:$0x1] =	stream.indirect_vreg.gather [hbm4b:s2+s11], $0x1, v1, vm0, $0x4038;
	[tilespmem:$0x4400] =	vst v63  }
0x5b: {  	v0 =	vadd.s32 $0x7A1780, v0;
	(ifvalue) =	ssetifvalue $0x7FFFFFFF  }
0x5c: {  	s31 =	sadd.s32 $0x1300, s18;
	(ifvalue) =	ssetifvalue $0x7FFFFFFF  }
0x5d: {  	[tilespmem:s31], [sflag:$0x1] =	stream.indirect_vreg.gather [hbm4b:s2+s11], $0x1, v2, vm0, $0x4038;
	[tilespmem:$0x4400] =	vst v63  }
0x5e: {  	s17 =	sadd.s32 $0x10, s17;
	s19 =	sadd.s32 $0x1380, s18;
	(ifvalue) =	ssetifvalue $0x7FFFFFFF  }
0x5f: {  	s18 =	simm.s32 $0x80;
	s16 =	simm.s32 $0x10;
	(ifvalue) =	ssetifvalue $0x7FFFFFFF  }
.LBB2_3:
0x60: {  	[tilespmem:s19], [sflag:$0x1] =	stream.indirect_vreg.gather [hbm4b:s2+s11], $0x1, v0, vm0, $0x4038;
	[tilespmem:$0x4400] =	vst v63  }
0x61: {  	p1 =	sne.s32 s16, $0x1F0;
	s20 =	smov.u32 s16;
	s16 =	sadd.s32 $0x10, s16;
	v0 =	vld.msk [tilespmem:s17+$0x0 ss:$0x1], $0xffff  }
0x62: {  	(ifvalue) =	ssetifvalue $0x7FFFFFFF;
	_ =	sdelay $0x4  }
0x63: {  	vm1 =	vgt.s32 v0, $0x0  }
0x64: {  	v0 =	vnsel vm1, $0x0, v0  }
0x65: {  	v0 =	vmin.u32 v0, $0xF423F  }
0x66: {  	v1 =	vshll.u32 v0, $0x3  }
0x67: {  	v0 =	vand.u32 $0x7F, v0;
	v1 =	vand.u32 $0x7FFC00, v1  }
0x68: {  	v0 =	vor.u32 v0, v1;
	_ =	sdelay $0x1  }
0x69: {  	s19 =	sand.u32 $0xC00, s18  }
0x6a: {  	s21 =	sand.u32 $0x70, s20;
	s19 =	sadd.s32 s19, s15;
	v1 =	vor.u32 $0x80, v0  }
0x6b: {  	s19 =	sadd.s32 s21, s19;
	(ifvalue) =	ssetifvalue $0x7FFFFFFF  }
0x6c: {  	[tilespmem:s19], [sflag:$0x1] =	stream.indirect_vreg.gather [hbm4b:s2+s11], $0x1, v0, vm0, $0x4038;
	[tilespmem:$0x4400] =	vst v63  }
0x6d: {  	v2 =	vor.u32 $0x100, v0;
	(ifvalue) =	ssetifvalue $0x7FFFFFFF  }
0x6e: {  	s21 =	sadd.s32 $0x80, s19;
	(ifvalue) =	ssetifvalue $0x7FFFFFFF  }
0x6f: {  	[tilespmem:s21], [sflag:$0x1] =	stream.indirect_vreg.gather [hbm4b:s2+s11], $0x1, v1, vm0, $0x4038;
	[tilespmem:$0x4400] =	vst v63  }
0x70: {  	v1 =	vor.u32 $0x180, v0;
	(ifvalue) =	ssetifvalue $0x7FFFFFFF  }
0x71: {  	s21 =	sadd.s32 $0x100, s19;
	(ifvalue) =	ssetifvalue $0x7FFFFFFF  }
0x72: {  	[tilespmem:s21], [sflag:$0x1] =	stream.indirect_vreg.gather [hbm4b:s2+s11], $0x1, v2, vm0, $0x4038;
	[tilespmem:$0x4400] =	vst v63  }
0x73: {  	v2 =	vor.u32 $0x200, v0;
	(ifvalue) =	ssetifvalue $0x7FFFFFFF  }
0x74: {  	s21 =	sadd.s32 $0x180, s19;
	(ifvalue) =	ssetifvalue $0x7FFFFFFF  }
0x75: {  	[tilespmem:s21], [sflag:$0x1] =	stream.indirect_vreg.gather [hbm4b:s2+s11], $0x1, v1, vm0, $0x4038;
	[tilespmem:$0x4400] =	vst v63  }
0x76: {  	v1 =	vor.u32 $0x280, v0;
	(ifvalue) =	ssetifvalue $0x7FFFFFFF  }
0x77: {  	s21 =	sadd.s32 $0x200, s19;
	(ifvalue) =	ssetifvalue $0x7FFFFFFF  }
0x78: {  	[tilespmem:s21], [sflag:$0x1] =	stream.indirect_vreg.gather [hbm4b:s2+s11], $0x1, v2, vm0, $0x4038;
	[tilespmem:$0x4400] =	vst v63  }
0x79: {  	v2 =	vor.u32 $0x300, v0;
	(ifvalue) =	ssetifvalue $0x7FFFFFFF  }
0x7a: {  	s21 =	sadd.s32 $0x280, s19;
	(ifvalue) =	ssetifvalue $0x7FFFFFFF  }
0x7b: {  	[tilespmem:s21], [sflag:$0x1] =	stream.indirect_vreg.gather [hbm4b:s2+s11], $0x1, v1, vm0, $0x4038;
	[tilespmem:$0x4400] =	vst v63  }
0x7c: {  	v1 =	vor.u32 $0x380, v0;
	(ifvalue) =	ssetifvalue $0x7FFFFFFF  }
0x7d: {  	s20 =	sor.u32 s18, s20;
	s21 =	sadd.s32 $0x300, s19;
	(ifvalue) =	ssetifvalue $0x7FFFFFFF  }
0x7e: {  	[tilespmem:s21], [sflag:$0x1] =	stream.indirect_vreg.gather [hbm4b:s2+s11], $0x1, v2, vm0, $0x4038;
	[tilespmem:$0x4400] =	vst v63  }
0x7f: {  	s20 =	sor.u32 $0x380, s20;
	v2 =	vadd.s32 $0x7A1400, v0;
	(ifvalue) =	ssetifvalue $0x7FFFFFFF  }
0x80: {  	s20 =	sadd.s32 s20, s15;
	(ifvalue) =	ssetifvalue $0x7FFFFFFF  }
0x81: {  	[tilespmem:s20], [sflag:$0x1] =	stream.indirect_vreg.gather [hbm4b:s2+s11], $0x1, v1, vm0, $0x4038;
	[tilespmem:$0x4400] =	vst v63  }
0x82: {  	v1 =	vadd.s32 $0x7A1480, v0;
	(ifvalue) =	ssetifvalue $0x7FFFFFFF  }
0x83: {  	s20 =	sadd.s32 $0x1000, s19;
	(ifvalue) =	ssetifvalue $0x7FFFFFFF  }
0x84: {  	[tilespmem:s20], [sflag:$0x1] =	stream.indirect_vreg.gather [hbm4b:s2+s11], $0x1, v2, vm0, $0x4038;
	[tilespmem:$0x4400] =	vst v63  }
0x85: {  	v2 =	vadd.s32 $0x7A1500, v0;
	(ifvalue) =	ssetifvalue $0x7FFFFFFF  }
0x86: {  	s20 =	sadd.s32 $0x1080, s19;
	(ifvalue) =	ssetifvalue $0x7FFFFFFF  }
0x87: {  	[tilespmem:s20], [sflag:$0x1] =	stream.indirect_vreg.gather [hbm4b:s2+s11], $0x1, v1, vm0, $0x4038;
	[tilespmem:$0x4400] =	vst v63  }
0x88: {  	v1 =	vadd.s32 $0x7A1580, v0;
	(ifvalue) =	ssetifvalue $0x7FFFFFFF  }
0x89: {  	s20 =	sadd.s32 $0x1100, s19;
	(ifvalue) =	ssetifvalue $0x7FFFFFFF  }
0x8a: {  	[tilespmem:s20], [sflag:$0x1] =	stream.indirect_vreg.gather [hbm4b:s2+s11], $0x1, v2, vm0, $0x4038;
	[tilespmem:$0x4400] =	vst v63  }
0x8b: {  	v2 =	vadd.s32 $0x7A1600, v0;
	(ifvalue) =	ssetifvalue $0x7FFFFFFF  }
0x8c: {  	s20 =	sadd.s32 $0x1180, s19;
	(ifvalue) =	ssetifvalue $0x7FFFFFFF  }
0x8d: {  	[tilespmem:s20], [sflag:$0x1] =	stream.indirect_vreg.gather [hbm4b:s2+s11], $0x1, v1, vm0, $0x4038;
	[tilespmem:$0x4400] =	vst v63  }
0x8e: {  	v1 =	vadd.s32 $0x7A1680, v0;
	(ifvalue) =	ssetifvalue $0x7FFFFFFF  }
0x8f: {  	s20 =	sadd.s32 $0x1200, s19;
	(ifvalue) =	ssetifvalue $0x7FFFFFFF  }
0x90: {  	[tilespmem:s20], [sflag:$0x1] =	stream.indirect_vreg.gather [hbm4b:s2+s11], $0x1, v2, vm0, $0x4038;
	[tilespmem:$0x4400] =	vst v63  }
0x91: {  	v2 =	vadd.s32 $0x7A1700, v0;
	(ifvalue) =	ssetifvalue $0x7FFFFFFF  }
0x92: {  	s20 =	sadd.s32 $0x1280, s19;
	(ifvalue) =	ssetifvalue $0x7FFFFFFF  }
0x93: {  	[tilespmem:s20], [sflag:$0x1] =	stream.indirect_vreg.gather [hbm4b:s2+s11], $0x1, v1, vm0, $0x4038;
	[tilespmem:$0x4400] =	vst v63  }
.Ltmp3:
0x94: {  	v0 =	vadd.s32 $0x7A1780, v0;
	(ifvalue) =	ssetifvalue $0x7FFFFFFF;
	(pc) =	sbr.rel @p1 .LBB2_3-.Ltmp3, $4  }
0x95: {  	s20 =	sadd.s32 $0x1300, s19;
	(ifvalue) =	ssetifvalue $0x7FFFFFFF  }
0x96: {  	[tilespmem:s20], [sflag:$0x1] =	stream.indirect_vreg.gather [hbm4b:s2+s11], $0x1, v2, vm0, $0x4038;
	[tilespmem:$0x4400] =	vst v63  }
0x97: {  	s17 =	sadd.s32 $0x10, s17;
	(ifvalue) =	ssetifvalue $0x7FFFFFFF  }
0x98: {  	s18 =	sadd.s32 $0x80, s18;
	s19 =	sadd.s32 $0x1380, s19;
	(ifvalue) =	ssetifvalue $0x7FFFFFFF  }
.Ltmp4:
0x99: {  	_ = 	snop;
	(pc) =	sbr.rel .LBB2_4-.Ltmp4, $1  }
0x9a: {  	_ =	sdelay $0x3  }
.LBB2_6:
0x9b: {  	_ =	sfence.sel $0x180000  }
0x9c: {  	s2 =	simm.s32 $0x2;
	[bflag:$0x0] =	sbarrier.arrive $0xFFFF  }
0x9d: {  	s30 =	simm.s32 $0x3;
	[sflag:s2] =	ssyncpa.u1 $0x1  }
0x9e: {  	s31 =	simm.s32 $0x1;
	[sflag:s30] =	ssyncpa.u1 $0x1  }
0x9f: {  	[sflag:s31] =	ssyncpa.u1 $0x1  }
0xa0: {  	p0 =	sne.s32 s0, $0x0;
	_ =	strace $0x90000053  }
0xa1: {  	s0 =	sadd.s32 @!p0 $0x100000, s1;
	[bflag:$0x2] =	sbarrier.arrive $0xFFFF  }
0xa2: {  	[sflag:s0] =	ssyncadd.tile.s32 @!p0 $0x1;
	_ =	shalt  }
.Lfunc_end2:
_tile_overlayer_lowered:
.L_overlay_start_2:
0xa3: {  	(tag) =	ssettag $0x2  }
0xa4: {  	s0 =	rddreg [dreg:$0x0];
	s2 =	stileid.u32  }
0xa5: {  	s1 =	rddreg [dreg:$0x1];
	p0 =	sne.s32 s2, $0x0  }
0xa6: {  	s3 =	rddreg [dreg:$0x2];
	[bflag:$0x3] =	sbarrier.arrive $0xFFFF;
	s2 =	simm.s32 @!p0 $0x1C01  }
0xa7: {  	[timem:s3], [sflag:s2] =	dma.local @!p0 [hbm:s0], s1  }
0xa8: {  	s0 =	simm.s32 @!p0 $0x1  }
0xa9: {  	_ =	swait.ge @!p0 [sflag:s0], s1  }
0xaa: {  	s1 =	ssub.s32 @!p0 $0x0, s1;
	[sflag:s0] =	ssyncset.done @!p0 $0x0  }
0xab: {  	[sflag:s0] =	ssyncadd.s32 @!p0 s1  }
0xac: {  	[bflag:$0x3] =	sbarrier.arrive $0xFFFF  }
0xad: {  	_ =	shalt  }

// kernel: gather_offload_async_start.3
scs
__scs_entry_jumppad:
0x0: {  	(pc) =	sbr.rel $0x88, $3  }
0x1: {  	(tag) =	ssettag $0x0;
	lr =	simm.s32 $0x1  }
0x2: {  	[smem:$0x3F99] =	sst lr;
	_ =	strace $0xD0000000  }
0x3: {  	_ = 	snop  }
0x4: {  	_ = 	snop  }
0x5: {  	_ = 	snop  }
0x6: {  	_ = 	snop  }
0x7: {  	_ = 	snop  }
__scs_overlays_trampoline_lowered:
0x8: {  	[smem:$0x3FA8] =	sst s0  }
0x9: {  	[smem:$0x3FA9] =	sst s1  }
0xa: {  	[smem:$0x3FAA] =	sst s2  }
0xb: {  	[smem:$0x3FAB] =	sst s3  }
0xc: {  	[smem:$0x3FAC] =	sst s4  }
0xd: {  	[smem:$0x3FAD] =	sst s5  }
0xe: {  	[smem:$0x3FAE] =	sst s6  }
0xf: {  	[smem:$0x3FAF] =	sst s7  }
0x10: {  	[smem:$0x3FB0] =	sst s8  }
0x11: {  	[smem:$0x3FB1] =	sst s9;
	s0 =	simm.s32 @!p0 $0x0  }
0x12: {  	s1 =	sld [smem:$0x3F97];
	s0 =	simm.s32 @p0 $0x1  }
0x13: {  	[smem:$0x3FB2] =	sst s0;
	s0 =	simm.s32 @!p1 $0x0  }
0x14: {  	s2 =	sld [smem:$0x3F96];
	s0 =	simm.s32 @p1 $0x1  }
0x15: {  	[smem:$0x3FB3] =	sst s0;
	s0 =	simm.s32 @!p2 $0x0  }
0x16: {  	s3 =	sld [smem:$0x3FDB];
	s0 =	simm.s32 @p2 $0x1  }
0x17: {  	s4 =	simm.s32 $0x1BF5;
	[smem:$0x3FB5] =	sst s0  }
0x18: {  	s0 =	sld [smem:$0x3F98];
	_ =	swait.ge [sflag:s4], $0x0  }
0x19: {  	s7 =	sld [smem:$0x3F99]  }
0x1a: {  	s8 =	sadd.s32 $0xFFFFE003, lr  }
0x1b: {  	s9 =	sadd.s32 $0xFFFFFEF7, lr;
	s5 =	simm.s32 $0xFFFFFFFF;
	p2 =	slt.u32 s8, $0xFFFFF086  }
0x1c: {  	p1 =	slt.u32 s9, $0xF7A;
	s5 =	simm.s32 @!p2 $0x0  }
0x1d: {  	s5 =	simm.s32 @p1 $0x1;
	p0 =	seq.s32 s7, s2  }
0x1e: {  	s7 =	smul.u32 @!p0 $0xF7A, s2;
	p2 =	seq.s32 @!p0 s5, $0x0  }
0x1f: {  	s9 =	smul.u32 $0xF7A, s1;
	s8 =	simm.s32 @!p0 $0x1BF5;
	p2 =	por !p2, p0  }
0x20: {  	[sflag:s8] =	ssyncset.s32 @!p0 $0xFFFFF086;
	s6 =	sadd.s32 @!p0 s3, s7;
	s7 =	simm.s32 @!p0 $0x108  }
0x21: {  	s3 =	sadd.s32 s3, s9;
	s6 =	sadd.s32 @!p0 $0x88, s6;
	s7 =	simm.s32 @p2 $0x1082  }
0x22: {  	[simem:s7], [sflag:s8] =	dma.local @!p0 [hbm:s6], $0xF7A  }
0x23: {  	s9 =	sor.u32 $0xD0000000, s2;
	s6 =	simm.s32 $0x108;
	_ =	swait.ge @!p0 [sflag:s8], $0x0  }
0x24: {  	s3 =	sadd.s32 $0x88, s3;
	s6 =	simm.s32 @!p1 $0x1082;
	[sflag:s4] =	ssyncset.s32 $0xFFFFF086  }
0x25: {  	[simem:s6], [sflag:s4] =	dma.local [hbm:s3], $0xF7A  }
0x26: {  	[smem:$0x3F99] =	sst s1;
	(tag) =	ssettag s2;
	_ =	strace s9  }
0x27: {  	s1 =	sld [smem:$0x3FA9]  }
0x28: {  	s2 =	sld [smem:$0x3FAA]  }
0x29: {  	s4 =	sld [smem:$0x3FAC]  }
0x2a: {  	p0 =	seq.s32 s5, $0x0;
	s5 =	sld [smem:$0x3FAD]  }
0x2b: {  	s6 =	sld [smem:$0x3FAE]  }
0x2c: {  	s7 =	sld [smem:$0x3FAF]  }
0x2d: {  	s3 =	simm.s32 $0x108;
	s8 =	sld [smem:$0x3FB0]  }
0x2e: {  	s3 =	simm.s32 @!p0 $0x1082;
	s9 =	sld [smem:$0x3FB1]  }
0x2f: {  	lr =	sadd.s32 s0, s3;
	s0 =	sld [smem:$0x3FA8]  }
0x30: {  	s3 =	sld [smem:$0x3FAB]  }
0x31: {  	[smem:$0x3FB4] =	sst s10  }
0x32: {  	s10 =	sld [smem:$0x3FB2];
	_ =	sdelay $0x3  }
0x33: {  	p0 =	seq.s32 s10, $0x1;
	s10 =	sld [smem:$0x3FB4];
	_ =	sdelay $0x3  }
0x34: {  	[smem:$0x3FB4] =	sst s10  }
0x35: {  	s10 =	sld [smem:$0x3FB3];
	_ =	sdelay $0x3  }
0x36: {  	p1 =	seq.s32 s10, $0x1;
	s10 =	sld [smem:$0x3FB4];
	_ =	sdelay $0x3  }
0x37: {  	[smem:$0x3FB4] =	sst s10  }
0x38: {  	s10 =	sld [smem:$0x3FB5]  }
0x39: {  	_ = 	snop;
	(pc) =	sbr.ind lr, $3  }
0x3a: {  	_ = 	snop  }
0x3b: {  	_ = 	snop  }
0x3c: {  	p2 =	seq.s32 s10, $0x1;
	s10 =	sld [smem:$0x3FB4]  }
0x3d: {  	_ =	shalt  }
0x3e: {  	_ =	shalt  }
0x3f: {  	_ =	shalt  }
0x40: {  	_ =	shalt  }
0x41: {  	_ =	shalt  }
0x42: {  	_ =	shalt  }
0x43: {  	_ =	shalt  }
0x44: {  	_ =	shalt  }
0x45: {  	_ =	shalt  }
0x46: {  	_ =	shalt  }
0x47: {  	_ =	shalt  }
0x48: {  	_ =	shalt  }
0x49: {  	_ =	shalt  }
0x4a: {  	_ =	shalt  }
0x4b: {  	_ =	shalt  }
0x4c: {  	_ =	shalt  }
0x4d: {  	_ =	shalt  }
0x4e: {  	_ =	shalt  }
0x4f: {  	_ =	shalt  }
0x50: {  	_ =	shalt  }
0x51: {  	_ =	shalt  }
0x52: {  	_ =	shalt  }
0x53: {  	_ =	shalt  }
0x54: {  	_ =	shalt  }
0x55: {  	_ =	shalt  }
0x56: {  	_ =	shalt  }
0x57: {  	_ =	shalt  }
0x58: {  	_ =	shalt  }
0x59: {  	_ =	shalt  }
0x5a: {  	_ =	shalt  }
0x5b: {  	_ =	shalt  }
0x5c: {  	_ =	shalt  }
0x5d: {  	_ =	shalt  }
0x5e: {  	_ =	shalt  }
0x5f: {  	_ =	shalt  }
0x60: {  	_ =	shalt  }
0x61: {  	_ =	shalt  }
0x62: {  	_ =	shalt  }
0x63: {  	_ =	shalt  }
0x64: {  	_ =	shalt  }
0x65: {  	_ =	shalt  }
0x66: {  	_ =	shalt  }
0x67: {  	_ =	shalt  }
0x68: {  	_ =	shalt  }
0x69: {  	_ =	shalt  }
0x6a: {  	_ =	shalt  }
0x6b: {  	_ =	shalt  }
0x6c: {  	_ =	shalt  }
0x6d: {  	_ =	shalt  }
0x6e: {  	_ =	shalt  }
0x6f: {  	_ =	shalt  }
0x70: {  	_ =	shalt  }
0x71: {  	_ =	shalt  }
0x72: {  	_ =	shalt  }
0x73: {  	_ =	shalt  }
0x74: {  	_ =	shalt  }
0x75: {  	_ =	shalt  }
0x76: {  	_ =	shalt  }
0x77: {  	_ =	shalt  }
0x78: {  	_ =	shalt  }
0x79: {  	_ =	shalt  }
0x7a: {  	_ =	shalt  }
0x7b: {  	_ =	shalt  }
0x7c: {  	_ =	shalt  }
0x7d: {  	_ =	shalt  }
0x7e: {  	_ =	shalt  }
0x7f: {  	_ =	shalt  }
0x80: {  	_ =	shalt  }
0x81: {  	_ =	shalt  }
0x82: {  	_ =	shalt  }
0x83: {  	_ =	shalt  }
0x84: {  	_ =	shalt  }
0x85: {  	_ =	shalt  }
0x86: {  	_ =	shalt  }
0x87: {  	_ =	shalt  }
.Lfunc_end0:
.L_simem_size_0:
called_computation.3_lowered:
.L_overlay_start_0:
0x88: {  	s2 =	sld [smem:$0x3FD9]  }
0x89: {  	s3 =	sld [smem:$0x3FFE];
	_ =	sdelay $0x1  }
0x8a: {  	s1 =	srdreg.scid  }
0x8b: {  	s0 =	sand.u32 $0x1, s1  }
0x8c: {  	s17 =	sshll.u32 s0, $0xA;
	s2 =	sadd.s32 s3, s2  }
0x8d: {  	s2 =	sadd.s32 s2, s17  }
0x8e: {  	[smem:$0x3FC0] =	sst s2  }
0x8f: {  	_ = 	snop  }
0x90: {  	s18 =	sld [smem:$0x3FC6];
	(tm) =	ssettm $0x1  }
0x91: {  	s19 =	sld [smem:$0x3FFB];
	_ =	sdelay $0x3  }
0x92: {  	_ =	strace s19  }
0x93: {  	s2 =	sld [smem:$0x3FFC];
	_ =	sdelay $0x3  }
0x94: {  	_ =	strace s2  }
0x95: {  	s2 =	sld [smem:$0x3FFD];
	_ =	sdelay $0x3  }
0x96: {  	_ =	strace s2  }
0x97: {  	_ =	strace $0x8FFFFFFF  }
0x98: {  	s20 =	sld [smem:$0x3FDB];
	_ =	sdelay $0x1  }
0x99: {  	s4 =	simm.s32 $_scs_section_size  }
0x9a: {  	s5 =	simm.s32 $_size__tile_overlayer_lowered;
	s6 =	simm.s32 $_tile_overlayer_lowered  }
0x9b: {  	s7 =	simm.s32 $0x1BFF;
	s21 =	sshll.u32 s6, $0x1;
	s4 =	sadd.s32 s4, s20  }
0x9c: {  	s22 =	simm.s32 $0x0;
	s5 =	sshll.u32 s5, $0x1;
	s6 =	sadd.s32 s21, s4  }
0x9d: {  	[timem:s22], [sflag:s7] =	dma.local [hbm:s6], s5  }
0x9e: {  	_ =	swait.ge [sflag:s7], s5  }
0x9f: {  	s5 =	ssub.s32 $0x0, s5;
	[sflag:s7] =	ssyncset.done $0x0  }
0xa0: {  	[sflag:s7] =	ssyncadd.s32 s5;
	_ =	sdelay $0x1  }
0xa1: {  	s23 =	simm.s32 $0x1B8B  }
0xa2: {  	_ =	swait.ge [sflag:s23], $0x1  }
0xa3: {  	[sflag:s23] =	ssyncset.done $0x0  }
0xa4: {  	[sflag:s23] =	ssyncadd.s32 $0xFFFFFFFF  }
0xa5: {  	s5 =	sld [smem:$0x0]  }
0xa6: {  	s6 =	sand.u32 $0xFFFFFFFE, s1  }
0xa7: {  	p0 =	sne.s32 s1, s6  }
0xa8: {  	s6 =	sshll.u32 @p0 s6, $0xE  }
0xa9: {  	s6 =	sadd.s32 @p0 $0x11B8D, s6;
	s7 =	sshll.u32 @p0 s5, $0x11  }
0xaa: {  	s6 =	sor.u32 @p0 s7, s6  }
0xab: {  	[sflag:s6] =	ssyncadd.remote.s32 @p0 $0x1;
	_ =	sdelay $0x1  }
0xac: {  	s6 =	simm.s32 @p0 $0x1B8D  }
0xad: {  	_ =	swait.eq @p0 [sflag:s6], $0x1  }
0xae: {  	[sflag:s6] =	ssyncadd.s32 @p0 $0xFFFFFFFF  }
0xaf: {  	s7 =	sshll.u32 @!p0 s1, $0xE  }
0xb0: {  	s7 =	sor.u32 @!p0 $0x4000, s7;
	s6 =	simm.s32 @!p0 $0x1B8D  }
0xb1: {  	s5 =	sshll.u32 @!p0 s5, $0x11;
	s7 =	sadd.s32 @!p0 $0x11B8D, s7;
	_ =	swait.eq @!p0 [sflag:s6], $0x1  }
0xb2: {  	s5 =	sor.u32 @!p0 s5, s7;
	[sflag:s6] =	ssyncadd.s32 @!p0 $0xFFFFFFFF  }
0xb3: {  	s25 =	simm.s32 $0x1B8E;
	s24 =	sld [smem:$0x3FFE];
	[sflag:s5] =	ssyncadd.remote.s32 @!p0 $0x1  }
0xb4: {  	s26 =	simm.s32 $execute0_lowered;
	[smem:$0x3FD2] =	sst s25  }
0xb5: {  	s6 =	sshll.u32 s26, $0x1;
	_ =	strace $0x8000004F;
	[dreg:$0x1] =	wrdreg $0xFFFFFFFF  }
0xb6: {  	s28 =	simm.s32 $_size_execute0_lowered;
	s4 =	sadd.s32 s4, s6;
	[dreg:$0x0] =	wrdreg $0x0  }
0xb7: {  	s6 =	sshll.u32 s28, $0x1;
	[dreg:$0x2] =	wrdreg s4  }
0xb8: {  	[dreg:$0x3] =	wrdreg s6  }
0xb9: {  	[dreg:$0x4] =	wrdreg $0xC0  }
0xba: {  	_ =	task [dreg:s22], $0x5FFFF  }
0xbb: {  	[dreg:$0x1] =	wrdreg $0xFFFFFFFF  }
0xbc: {  	[dreg:$0x0] =	wrdreg $0x60  }
0xbd: {  	[dreg:$0x2] =	wrdreg s18  }
0xbe: {  	[dreg:$0x3] =	wrdreg s24  }
0xbf: {  	[dreg:$0x4] =	wrdreg $0xB  }
0xc0: {  	_ =	task.clear_ibuf [dreg:s22], $0x5FFFF;
	_ =	strace $0x9000004F  }
0xc1: {  	s29 =	simm.s32 $0xB;
	_ =	strace $0x80000051  }
0xc2: {  	_ =	swait.ge [sflag:s29], $0x1  }
0xc3: {  	[sflag:s29] =	ssyncadd.s32 $0xFFFFFFFF  }
0xc4: {  	_ =	strace $0x90000051  }
0xc5: {  	_ =	sfence  }
0xc6: {  	s30 =	sld [smem:$0x0];
	_ =	sdelay $0x2  }
0xc7: {  	s31 =	sshll.u32 s1, $0xD;
	s1 =	sshrl.u32 s1, $0x2  }
0xc8: {  	s4 =	sand.u32 $0x4000, s31;
	s1 =	sadd.s32 s1, s30  }
0xc9: {  	s0 =	sor.u32 s4, s0;
	s1 =	sshll.u32 s1, $0x11  }
0xca: {  	s0 =	sor.u32 s1, s0  }
0xcb: {  	s0 =	sadd.s32 $0x8F2B, s0  }
0xcc: {  	[sflag:s0] =	ssyncadd.remote.s32 $0x1  }
0xcd: {  	_ =	sfence.sel $0xFFFF  }
0xce: {  	[dreg:$0x0] =	wrdreg $0xFFFFFFFF;
	(pc) =	sbr.abs _section_cstart, $3  }
0xcf: {  	[dreg:$0x1] =	wrdreg $0xFFFFFFFF  }
0xd0: {  	_ =	task.clear_ibuf [dreg:s22], $0x2FFFF;
	_ =	strace $0x9FFFFFFF  }
0xd1: {  	(tm) =	ssettm $0x7FFFFFFF  }
tec
execute0_lowered:
.L_overlay_start_1:
0x0: {  	(tag) =	ssettag $0x1  }
0x1: {  	s1 =	srdreg.scid;
	s2 =	rddreg [dreg:$0x0]  }
0x2: {  	s0 =	stileid.u32;
	s9 =	rddreg [dreg:$0x1]  }
0x3: {  	s5 =	simm.s32 $0x1;
	s6 =	simm.s32 $0x2;
	s1 =	sshll.u32 s1, $0x9  }
0x4: {  	s11 =	simm.s32 $0x3;
	s3 =	sshll.u32 s0, $0xA;
	s1 =	sand.u32 $0x200, s1  }
0x5: {  	s13 =	simm.s32 $0x0;
	s12 =	simm.s32 $0x0;
	s3 =	sor.u32 s3, s1  }
0x6: {  	s1 =	rddreg [dreg:$0x2];
	_ =	strace $0x80000050;
	s4 =	sshrl.u32 s3, $0x3  }
0x7: {  	s7 =	ssub.s32 $0x4000, s3;
	[sflag:s5] =	ssyncpa.u1 $0x0;
	s8 =	sadd.s32 s4, s9  }
.Ltmp0:
0x8: {  	s4 =	sadd.s32 $0x4200, s9;
	s10 =	sand.u32 $0x3E00, s7;
	(pc) =	sbr.rel .LBB2_1-.Ltmp0, $4  }
0x9: {  	[sflag:s6] =	ssyncpa.u1 $0x0;
	p0 =	sne.s32 s10, $0x0;
	s10 =	simm.s32 $0x1  }
0xa: {  	s7 =	sshrl.u32 s7, $0xE;
	s9 =	sadd.s32 $0x8200, s9;
	s10 =	simm.s32 @!p0 $0x0  }
0xb: {  	[sflag:s11] =	ssyncpa.u1 $0x0;
	s8 =	sadd.s32 $0x3800, s8;
	s7 =	sadd.s32 s10, s7  }
0xc: {  	vm0 =	vmmov $0xffff;
	s11 =	simm.s32 $0x0;
	p0 =	por $0x0, $0x0;
	s10 =	sadd.s32 $0x1, s7  }
.LBB2_4:
0xd: {  	_ =	sdelay $0x3  }
0xe: {  	[tilespmem:s19], [sflag:$0x1] =	stream.indirect_vreg.gather [hbm4b:s2+s11], $0x1, v0, vm0, $0x4038;
	[tilespmem:$0x4400] =	vst v63  }
0xf: {  	s16 =	sshll.u32 s13, $0x3  }
0x10: {  	s30 =	sand.u32 $0x78, s13;
	s16 =	sand.u32 $0x7FFFFC00, s16  }
0x11: {  	_ =	swait.ge [sflag:s5], $0x2000;
	s13 =	sor.u32 s30, s16  }
0x12: {  	[sflag:s5] =	ssyncset.done $0x0;
	s13 =	sshrl.u32 s13, $0x3  }
0x13: {  	[sflag:s5] =	ssyncadd.s32 $0xFFFFE000;
	s31 =	sadd.s32 s4, s13  }
0x14: {  	[hbm:s31] =	stream.linear.scatter [tilespmem:s15], [sflag:$0x3], $0x1000, $0x38;
	[tilespmem:$0x4400] =	vst v63  }
0x15: {  	s14 =	sadd.s32 $0x1400, s14;
	s13 =	sadd.s32 s13, s9  }
0x16: {  	[hbm:s13] =	stream.linear.scatter [tilespmem:s14], [sflag:$0x3], $0x1000, $0x38;
	[tilespmem:$0x4400] =	vst v63  }
.LBB2_5:
0x17: {  	p2 =	sne.s32 s12, s10  }
.Ltmp1:
0x18: {  	p1 =	slt.u32 s12, $0x2;
	(pc) =	sbr.rel @!p2 .LBB2_6-.Ltmp1, $4  }
0x19: {  	s13 =	simm.s32 @!p1 $0x3  }
0x1a: {  	_ =	swait.ge @!p1 [sflag:s13], $0x2000  }
0x1b: {  	s14 =	sadd.s32 $0x1, s12;
	p0 =	por !p0, !p0;
	[sflag:s13] =	ssyncset.done @!p1 $0x0  }
0x1c: {  	s12 =	smov.u32 s14;
	[sflag:s13] =	ssyncadd.s32 @!p1 $0xFFFFE000;
	s13 =	smov.u32 s3  }
.LBB2_1:
0x1d: {  	p1 =	sge.u32 s12, s7  }
0x1e: {  	s14 =	sxor.u32 @!p1 $0xFFFFFFFF, s12  }
0x1f: {  	s14 =	sshll.u32 @!p1 s14, $0x9  }
0x20: {  	s31 =	sadd.s32 $0xFFFFFFFF, s12;
	s15 =	simm.s32 @!p1 $0x0;
	s14 =	sand.u32 @!p1 $0x200, s14  }
0x21: {  	[tilespmem:s14], [sflag:$0x2] =	stream.linear.gather @!p1 [hbm4b:s8+s15], $0x200, $0x38;
	[tilespmem:$0x4400] =	vst v63  }
0x22: {  	p1 =	sge.u32 s31, s7  }
.Ltmp2:
0x23: {  	_ = 	snop;
	(pc) =	sbr.rel @p1 .LBB2_5-.Ltmp2, $1  }
0x24: {  	_ =	sdelay $0x3  }
0x25: {  	s14 =	simm.s32 $0x1;
	_ =	swait.ge [sflag:s6], $0x200  }
0x26: {  	s14 =	simm.s32 @!p0 $0x0;
	[sflag:s6] =	ssyncset.done $0x0  }
0x27: {  	s17 =	sshll.u32 s14, $0x9;
	[sflag:s6] =	ssyncadd.s32 $0xFFFFFE00  }
0x28: {  	v0 =	vld.msk [tilespmem:s17+$0x0 ss:$0x1], $0xffff;
	_ =	sdelay $0x4  }
0x29: {  	vm1 =	vgt.s32 v0, $0x0  }
0x2a: {  	v0 =	vnsel vm1, $0x0, v0  }
0x2b: {  	v0 =	vmin.u32 v0, $0xF423F  }
0x2c: {  	v1 =	vshll.u32 v0, $0x3  }
0x2d: {  	v0 =	vand.u32 $0x7F, v0;
	v1 =	vand.u32 $0x7FFC00, v1  }
0x2e: {  	s30 =	sshll.u32 s12, $0xD;
	v0 =	vor.u32 v0, v1  }
0x2f: {  	s16 =	simm.s32 $0x0;
	s14 =	sand.u32 $0x2000, s30  }
0x30: {  	s18 =	sand.u32 $0xC00, s16;
	s15 =	sor.u32 $0x400, s14  }
0x31: {  	s19 =	sand.u32 $0x70, s16;
	(ifvalue) =	ssetifvalue $0x7FFFFFFF;
	s18 =	sadd.s32 s18, s15;
	v1 =	vor.u32 $0x80, v0  }
0x32: {  	(ifvalue) =	ssetifvalue $0x7FFFFFFF;
	s18 =	sadd.s32 s19, s18  }
0x33: {  	[tilespmem:s18], [sflag:$0x1] =	stream.indirect_vreg.gather [hbm4b:s2+s11], $0x1, v0, vm0, $0x4038;
	[tilespmem:$0x4400] =	vst v63  }
0x34: {  	v2 =	vor.u32 $0x100, v0;
	(ifvalue) =	ssetifvalue $0x7FFFFFFF  }
0x35: {  	s19 =	sadd.s32 $0x80, s18;
	(ifvalue) =	ssetifvalue $0x7FFFFFFF  }
0x36: {  	[tilespmem:s19], [sflag:$0x1] =	stream.indirect_vreg.gather [hbm4b:s2+s11], $0x1, v1, vm0, $0x4038;
	[tilespmem:$0x4400] =	vst v63  }
0x37: {  	v1 =	vor.u32 $0x180, v0;
	(ifvalue) =	ssetifvalue $0x7FFFFFFF  }
0x38: {  	s31 =	sadd.s32 $0x100, s18;
	(ifvalue) =	ssetifvalue $0x7FFFFFFF  }
0x39: {  	[tilespmem:s31], [sflag:$0x1] =	stream.indirect_vreg.gather [hbm4b:s2+s11], $0x1, v2, vm0, $0x4038;
	[tilespmem:$0x4400] =	vst v63  }
0x3a: {  	v2 =	vor.u32 $0x200, v0;
	(ifvalue) =	ssetifvalue $0x7FFFFFFF  }
0x3b: {  	s20 =	sadd.s32 $0x180, s18;
	(ifvalue) =	ssetifvalue $0x7FFFFFFF  }
0x3c: {  	[tilespmem:s20], [sflag:$0x1] =	stream.indirect_vreg.gather [hbm4b:s2+s11], $0x1, v1, vm0, $0x4038;
	[tilespmem:$0x4400] =	vst v63  }
0x3d: {  	(ifvalue) =	ssetifvalue $0x7FFFFFFF;
	v1 =	vor.u32 $0x280, v0  }
0x3e: {  	s21 =	sadd.s32 $0x200, s18;
	(ifvalue) =	ssetifvalue $0x7FFFFFFF  }
0x3f: {  	[tilespmem:s21], [sflag:$0x1] =	stream.indirect_vreg.gather [hbm4b:s2+s11], $0x1, v2, vm0, $0x4038;
	[tilespmem:$0x4400] =	vst v63  }
0x40: {  	(ifvalue) =	ssetifvalue $0x7FFFFFFF;
	v2 =	vor.u32 $0x300, v0  }
0x41: {  	s22 =	sadd.s32 $0x280, s18;
	(ifvalue) =	ssetifvalue $0x7FFFFFFF  }
0x42: {  	[tilespmem:s22], [sflag:$0x1] =	stream.indirect_vreg.gather [hbm4b:s2+s11], $0x1, v1, vm0, $0x4038;
	[tilespmem:$0x4400] =	vst v63  }
0x43: {  	(ifvalue) =	ssetifvalue $0x7FFFFFFF;
	v1 =	vor.u32 $0x380, v0  }
0x44: {  	s16 =	sor.u32 s16, s16;
	s23 =	sadd.s32 $0x300, s18;
	(ifvalue) =	ssetifvalue $0x7FFFFFFF  }
0x45: {  	[tilespmem:s23], [sflag:$0x1] =	stream.indirect_vreg.gather [hbm4b:s2+s11], $0x1, v2, vm0, $0x4038;
	[tilespmem:$0x4400] =	vst v63  }
0x46: {  	s16 =	sor.u32 $0x380, s16;
	(ifvalue) =	ssetifvalue $0x7FFFFFFF;
	v2 =	vadd.s32 $0x7A1400, v0  }
0x47: {  	s16 =	sadd.s32 s16, s15;
	(ifvalue) =	ssetifvalue $0x7FFFFFFF  }
0x48: {  	[tilespmem:s16], [sflag:$0x1] =	stream.indirect_vreg.gather [hbm4b:s2+s11], $0x1, v1, vm0, $0x4038;
	[tilespmem:$0x4400] =	vst v63  }
0x49: {  	(ifvalue) =	ssetifvalue $0x7FFFFFFF;
	v1 =	vadd.s32 $0x7A1480, v0  }
0x4a: {  	s24 =	sadd.s32 $0x1000, s18;
	(ifvalue) =	ssetifvalue $0x7FFFFFFF  }
0x4b: {  	[tilespmem:s24], [sflag:$0x1] =	stream.indirect_vreg.gather [hbm4b:s2+s11], $0x1, v2, vm0, $0x4038;
	[tilespmem:$0x4400] =	vst v63  }
0x4c: {  	(ifvalue) =	ssetifvalue $0x7FFFFFFF;
	v2 =	vadd.s32 $0x7A1500, v0  }
0x4d: {  	s25 =	sadd.s32 $0x1080, s18;
	(ifvalue) =	ssetifvalue $0x7FFFFFFF  }
0x4e: {  	[tilespmem:s25], [sflag:$0x1] =	stream.indirect_vreg.gather [hbm4b:s2+s11], $0x1, v1, vm0, $0x4038;
	[tilespmem:$0x4400] =	vst v63  }
0x4f: {  	(ifvalue) =	ssetifvalue $0x7FFFFFFF;
	v1 =	vadd.s32 $0x7A1580, v0  }
0x50: {  	s26 =	sadd.s32 $0x1100, s18;
	(ifvalue) =	ssetifvalue $0x7FFFFFFF  }
0x51: {  	[tilespmem:s26], [sflag:$0x1] =	stream.indirect_vreg.gather [hbm4b:s2+s11], $0x1, v2, vm0, $0x4038;
	[tilespmem:$0x4400] =	vst v63  }
0x52: {  	(ifvalue) =	ssetifvalue $0x7FFFFFFF;
	v2 =	vadd.s32 $0x7A1600, v0  }
0x53: {  	s28 =	sadd.s32 $0x1180, s18;
	(ifvalue) =	ssetifvalue $0x7FFFFFFF  }
0x54: {  	[tilespmem:s28], [sflag:$0x1] =	stream.indirect_vreg.gather [hbm4b:s2+s11], $0x1, v1, vm0, $0x4038;
	[tilespmem:$0x4400] =	vst v63  }
0x55: {  	(ifvalue) =	ssetifvalue $0x7FFFFFFF;
	v1 =	vadd.s32 $0x7A1680, v0  }
0x56: {  	s29 =	sadd.s32 $0x1200, s18;
	(ifvalue) =	ssetifvalue $0x7FFFFFFF  }
0x57: {  	[tilespmem:s29], [sflag:$0x1] =	stream.indirect_vreg.gather [hbm4b:s2+s11], $0x1, v2, vm0, $0x4038;
	[tilespmem:$0x4400] =	vst v63  }
0x58: {  	(ifvalue) =	ssetifvalue $0x7FFFFFFF;
	v2 =	vadd.s32 $0x7A1700, v0  }
0x59: {  	s30 =	sadd.s32 $0x1280, s18;
	(ifvalue) =	ssetifvalue $0x7FFFFFFF  }
0x5a: {  	[tilespmem:s30], [sflag:$0x1] =	stream.indirect_vreg.gather [hbm4b:s2+s11], $0x1, v1, vm0, $0x4038;
	[tilespmem:$0x4400] =	vst v63  }
0x5b: {  	v0 =	vadd.s32 $0x7A1780, v0;
	(ifvalue) =	ssetifvalue $0x7FFFFFFF  }
0x5c: {  	s31 =	sadd.s32 $0x1300, s18;
	(ifvalue) =	ssetifvalue $0x7FFFFFFF  }
0x5d: {  	[tilespmem:s31], [sflag:$0x1] =	stream.indirect_vreg.gather [hbm4b:s2+s11], $0x1, v2, vm0, $0x4038;
	[tilespmem:$0x4400] =	vst v63  }
0x5e: {  	s17 =	sadd.s32 $0x10, s17;
	s19 =	sadd.s32 $0x1380, s18;
	(ifvalue) =	ssetifvalue $0x7FFFFFFF  }
0x5f: {  	s18 =	simm.s32 $0x80;
	s16 =	simm.s32 $0x10;
	(ifvalue) =	ssetifvalue $0x7FFFFFFF  }
.LBB2_3:
0x60: {  	[tilespmem:s19], [sflag:$0x1] =	stream.indirect_vreg.gather [hbm4b:s2+s11], $0x1, v0, vm0, $0x4038;
	[tilespmem:$0x4400] =	vst v63  }
0x61: {  	p1 =	sne.s32 s16, $0x1F0;
	s20 =	smov.u32 s16;
	s16 =	sadd.s32 $0x10, s16;
	v0 =	vld.msk [tilespmem:s17+$0x0 ss:$0x1], $0xffff  }
0x62: {  	(ifvalue) =	ssetifvalue $0x7FFFFFFF;
	_ =	sdelay $0x4  }
0x63: {  	vm1 =	vgt.s32 v0, $0x0  }
0x64: {  	v0 =	vnsel vm1, $0x0, v0  }
0x65: {  	v0 =	vmin.u32 v0, $0xF423F  }
0x66: {  	v1 =	vshll.u32 v0, $0x3  }
0x67: {  	v0 =	vand.u32 $0x7F, v0;
	v1 =	vand.u32 $0x7FFC00, v1  }
0x68: {  	v0 =	vor.u32 v0, v1;
	_ =	sdelay $0x1  }
0x69: {  	s19 =	sand.u32 $0xC00, s18  }
0x6a: {  	s21 =	sand.u32 $0x70, s20;
	s19 =	sadd.s32 s19, s15;
	v1 =	vor.u32 $0x80, v0  }
0x6b: {  	s19 =	sadd.s32 s21, s19;
	(ifvalue) =	ssetifvalue $0x7FFFFFFF  }
0x6c: {  	[tilespmem:s19], [sflag:$0x1] =	stream.indirect_vreg.gather [hbm4b:s2+s11], $0x1, v0, vm0, $0x4038;
	[tilespmem:$0x4400] =	vst v63  }
0x6d: {  	v2 =	vor.u32 $0x100, v0;
	(ifvalue) =	ssetifvalue $0x7FFFFFFF  }
0x6e: {  	s21 =	sadd.s32 $0x80, s19;
	(ifvalue) =	ssetifvalue $0x7FFFFFFF  }
0x6f: {  	[tilespmem:s21], [sflag:$0x1] =	stream.indirect_vreg.gather [hbm4b:s2+s11], $0x1, v1, vm0, $0x4038;
	[tilespmem:$0x4400] =	vst v63  }
0x70: {  	v1 =	vor.u32 $0x180, v0;
	(ifvalue) =	ssetifvalue $0x7FFFFFFF  }
0x71: {  	s21 =	sadd.s32 $0x100, s19;
	(ifvalue) =	ssetifvalue $0x7FFFFFFF  }
0x72: {  	[tilespmem:s21], [sflag:$0x1] =	stream.indirect_vreg.gather [hbm4b:s2+s11], $0x1, v2, vm0, $0x4038;
	[tilespmem:$0x4400] =	vst v63  }
0x73: {  	v2 =	vor.u32 $0x200, v0;
	(ifvalue) =	ssetifvalue $0x7FFFFFFF  }
0x74: {  	s21 =	sadd.s32 $0x180, s19;
	(ifvalue) =	ssetifvalue $0x7FFFFFFF  }
0x75: {  	[tilespmem:s21], [sflag:$0x1] =	stream.indirect_vreg.gather [hbm4b:s2+s11], $0x1, v1, vm0, $0x4038;
	[tilespmem:$0x4400] =	vst v63  }
0x76: {  	v1 =	vor.u32 $0x280, v0;
	(ifvalue) =	ssetifvalue $0x7FFFFFFF  }
0x77: {  	s21 =	sadd.s32 $0x200, s19;
	(ifvalue) =	ssetifvalue $0x7FFFFFFF  }
0x78: {  	[tilespmem:s21], [sflag:$0x1] =	stream.indirect_vreg.gather [hbm4b:s2+s11], $0x1, v2, vm0, $0x4038;
	[tilespmem:$0x4400] =	vst v63  }
0x79: {  	v2 =	vor.u32 $0x300, v0;
	(ifvalue) =	ssetifvalue $0x7FFFFFFF  }
0x7a: {  	s21 =	sadd.s32 $0x280, s19;
	(ifvalue) =	ssetifvalue $0x7FFFFFFF  }
0x7b: {  	[tilespmem:s21], [sflag:$0x1] =	stream.indirect_vreg.gather [hbm4b:s2+s11], $0x1, v1, vm0, $0x4038;
	[tilespmem:$0x4400] =	vst v63  }
0x7c: {  	v1 =	vor.u32 $0x380, v0;
	(ifvalue) =	ssetifvalue $0x7FFFFFFF  }
0x7d: {  	s20 =	sor.u32 s18, s20;
	s21 =	sadd.s32 $0x300, s19;
	(ifvalue) =	ssetifvalue $0x7FFFFFFF  }
0x7e: {  	[tilespmem:s21], [sflag:$0x1] =	stream.indirect_vreg.gather [hbm4b:s2+s11], $0x1, v2, vm0, $0x4038;
	[tilespmem:$0x4400] =	vst v63  }
0x7f: {  	s20 =	sor.u32 $0x380, s20;
	v2 =	vadd.s32 $0x7A1400, v0;
	(ifvalue) =	ssetifvalue $0x7FFFFFFF  }
0x80: {  	s20 =	sadd.s32 s20, s15;
	(ifvalue) =	ssetifvalue $0x7FFFFFFF  }
0x81: {  	[tilespmem:s20], [sflag:$0x1] =	stream.indirect_vreg.gather [hbm4b:s2+s11], $0x1, v1, vm0, $0x4038;
	[tilespmem:$0x4400] =	vst v63  }
0x82: {  	v1 =	vadd.s32 $0x7A1480, v0;
	(ifvalue) =	ssetifvalue $0x7FFFFFFF  }
0x83: {  	s20 =	sadd.s32 $0x1000, s19;
	(ifvalue) =	ssetifvalue $0x7FFFFFFF  }
0x84: {  	[tilespmem:s20], [sflag:$0x1] =	stream.indirect_vreg.gather [hbm4b:s2+s11], $0x1, v2, vm0, $0x4038;
	[tilespmem:$0x4400] =	vst v63  }
0x85: {  	v2 =	vadd.s32 $0x7A1500, v0;
	(ifvalue) =	ssetifvalue $0x7FFFFFFF  }
0x86: {  	s20 =	sadd.s32 $0x1080, s19;
	(ifvalue) =	ssetifvalue $0x7FFFFFFF  }
0x87: {  	[tilespmem:s20], [sflag:$0x1] =	stream.indirect_vreg.gather [hbm4b:s2+s11], $0x1, v1, vm0, $0x4038;
	[tilespmem:$0x4400] =	vst v63  }
0x88: {  	v1 =	vadd.s32 $0x7A1580, v0;
	(ifvalue) =	ssetifvalue $0x7FFFFFFF  }
0x89: {  	s20 =	sadd.s32 $0x1100, s19;
	(ifvalue) =	ssetifvalue $0x7FFFFFFF  }
0x8a: {  	[tilespmem:s20], [sflag:$0x1] =	stream.indirect_vreg.gather [hbm4b:s2+s11], $0x1, v2, vm0, $0x4038;
	[tilespmem:$0x4400] =	vst v63  }
0x8b: {  	v2 =	vadd.s32 $0x7A1600, v0;
	(ifvalue) =	ssetifvalue $0x7FFFFFFF  }
0x8c: {  	s20 =	sadd.s32 $0x1180, s19;
	(ifvalue) =	ssetifvalue $0x7FFFFFFF  }
0x8d: {  	[tilespmem:s20], [sflag:$0x1] =	stream.indirect_vreg.gather [hbm4b:s2+s11], $0x1, v1, vm0, $0x4038;
	[tilespmem:$0x4400] =	vst v63  }
0x8e: {  	v1 =	vadd.s32 $0x7A1680, v0;
	(ifvalue) =	ssetifvalue $0x7FFFFFFF  }
0x8f: {  	s20 =	sadd.s32 $0x1200, s19;
	(ifvalue) =	ssetifvalue $0x7FFFFFFF  }
0x90: {  	[tilespmem:s20], [sflag:$0x1] =	stream.indirect_vreg.gather [hbm4b:s2+s11], $0x1, v2, vm0, $0x4038;
	[tilespmem:$0x4400] =	vst v63  }
0x91: {  	v2 =	vadd.s32 $0x7A1700, v0;
	(ifvalue) =	ssetifvalue $0x7FFFFFFF  }
0x92: {  	s20 =	sadd.s32 $0x1280, s19;
	(ifvalue) =	ssetifvalue $0x7FFFFFFF  }
0x93: {  	[tilespmem:s20], [sflag:$0x1] =	stream.indirect_vreg.gather [hbm4b:s2+s11], $0x1, v1, vm0, $0x4038;
	[tilespmem:$0x4400] =	vst v63  }
.Ltmp3:
0x94: {  	v0 =	vadd.s32 $0x7A1780, v0;
	(ifvalue) =	ssetifvalue $0x7FFFFFFF;
	(pc) =	sbr.rel @p1 .LBB2_3-.Ltmp3, $4  }
0x95: {  	s20 =	sadd.s32 $0x1300, s19;
	(ifvalue) =	ssetifvalue $0x7FFFFFFF  }
0x96: {  	[tilespmem:s20], [sflag:$0x1] =	stream.indirect_vreg.gather [hbm4b:s2+s11], $0x1, v2, vm0, $0x4038;
	[tilespmem:$0x4400] =	vst v63  }
0x97: {  	s17 =	sadd.s32 $0x10, s17;
	(ifvalue) =	ssetifvalue $0x7FFFFFFF  }
0x98: {  	s18 =	sadd.s32 $0x80, s18;
	s19 =	sadd.s32 $0x1380, s19;
	(ifvalue) =	ssetifvalue $0x7FFFFFFF  }
.Ltmp4:
0x99: {  	_ = 	snop;
	(pc) =	sbr.rel .LBB2_4-.Ltmp4, $1  }
0x9a: {  	_ =	sdelay $0x3  }
.LBB2_6:
0x9b: {  	_ =	sfence.sel $0x180000  }
0x9c: {  	s2 =	simm.s32 $0x2;
	[bflag:$0x0] =	sbarrier.arrive $0xFFFF  }
0x9d: {  	s30 =	simm.s32 $0x3;
	[sflag:s2] =	ssyncpa.u1 $0x1  }
0x9e: {  	s31 =	simm.s32 $0x1;
	[sflag:s30] =	ssyncpa.u1 $0x1  }
0x9f: {  	[sflag:s31] =	ssyncpa.u1 $0x1  }
0xa0: {  	p0 =	sne.s32 s0, $0x0;
	_ =	strace $0x90000050  }
0xa1: {  	s0 =	sadd.s32 @!p0 $0x100000, s1;
	[bflag:$0x2] =	sbarrier.arrive $0xFFFF  }
0xa2: {  	[sflag:s0] =	ssyncadd.tile.s32 @!p0 $0x1;
	_ =	shalt  }
.Lfunc_end2:
_tile_overlayer_lowered:
.L_overlay_start_2:
0xa3: {  	(tag) =	ssettag $0x2  }
0xa4: {  	s0 =	rddreg [dreg:$0x0];
	s2 =	stileid.u32  }
0xa5: {  	s1 =	rddreg [dreg:$0x1];
	p0 =	sne.s32 s2, $0x0  }
0xa6: {  	s3 =	rddreg [dreg:$0x2];
	[bflag:$0x3] =	sbarrier.arrive $0xFFFF;
	s2 =	simm.s32 @!p0 $0x1C01  }
0xa7: {  	[timem:s3], [sflag:s2] =	dma.local @!p0 [hbm:s0], s1  }
0xa8: {  	s0 =	simm.s32 @!p0 $0x1  }
0xa9: {  	_ =	swait.ge @!p0 [sflag:s0], s1  }
0xaa: {  	s1 =	ssub.s32 @!p0 $0x0, s1;
	[sflag:s0] =	ssyncset.done @!p0 $0x0  }
0xab: {  	[sflag:s0] =	ssyncadd.s32 @!p0 s1  }
0xac: {  	[bflag:$0x3] =	sbarrier.arrive $0xFFFF  }
0xad: {  	_ =	shalt  }

// kernel: gather_offload_async_start
scs
__scs_entry_jumppad:
0x0: {  	(pc) =	sbr.rel $0x88, $3  }
0x1: {  	(tag) =	ssettag $0x0;
	lr =	simm.s32 $0x1  }
0x2: {  	[smem:$0x3F99] =	sst lr;
	_ =	strace $0xD0000000  }
0x3: {  	_ = 	snop  }
0x4: {  	_ = 	snop  }
0x5: {  	_ = 	snop  }
0x6: {  	_ = 	snop  }
0x7: {  	_ = 	snop  }
__scs_overlays_trampoline_lowered:
0x8: {  	[smem:$0x3FA8] =	sst s0  }
0x9: {  	[smem:$0x3FA9] =	sst s1  }
0xa: {  	[smem:$0x3FAA] =	sst s2  }
0xb: {  	[smem:$0x3FAB] =	sst s3  }
0xc: {  	[smem:$0x3FAC] =	sst s4  }
0xd: {  	[smem:$0x3FAD] =	sst s5  }
0xe: {  	[smem:$0x3FAE] =	sst s6  }
0xf: {  	[smem:$0x3FAF] =	sst s7  }
0x10: {  	[smem:$0x3FB0] =	sst s8  }
0x11: {  	[smem:$0x3FB1] =	sst s9;
	s0 =	simm.s32 @!p0 $0x0  }
0x12: {  	s1 =	sld [smem:$0x3F97];
	s0 =	simm.s32 @p0 $0x1  }
0x13: {  	[smem:$0x3FB2] =	sst s0;
	s0 =	simm.s32 @!p1 $0x0  }
0x14: {  	s2 =	sld [smem:$0x3F96];
	s0 =	simm.s32 @p1 $0x1  }
0x15: {  	[smem:$0x3FB3] =	sst s0;
	s0 =	simm.s32 @!p2 $0x0  }
0x16: {  	s3 =	sld [smem:$0x3FDB];
	s0 =	simm.s32 @p2 $0x1  }
0x17: {  	s4 =	simm.s32 $0x1BF5;
	[smem:$0x3FB5] =	sst s0  }
0x18: {  	s0 =	sld [smem:$0x3F98];
	_ =	swait.ge [sflag:s4], $0x0  }
0x19: {  	s7 =	sld [smem:$0x3F99]  }
0x1a: {  	s8 =	sadd.s32 $0xFFFFE003, lr  }
0x1b: {  	s9 =	sadd.s32 $0xFFFFFEF7, lr;
	s5 =	simm.s32 $0xFFFFFFFF;
	p2 =	slt.u32 s8, $0xFFFFF086  }
0x1c: {  	p1 =	slt.u32 s9, $0xF7A;
	s5 =	simm.s32 @!p2 $0x0  }
0x1d: {  	s5 =	simm.s32 @p1 $0x1;
	p0 =	seq.s32 s7, s2  }
0x1e: {  	s7 =	smul.u32 @!p0 $0xF7A, s2;
	p2 =	seq.s32 @!p0 s5, $0x0  }
0x1f: {  	s9 =	smul.u32 $0xF7A, s1;
	s8 =	simm.s32 @!p0 $0x1BF5;
	p2 =	por !p2, p0  }
0x20: {  	[sflag:s8] =	ssyncset.s32 @!p0 $0xFFFFF086;
	s6 =	sadd.s32 @!p0 s3, s7;
	s7 =	simm.s32 @!p0 $0x108  }
0x21: {  	s3 =	sadd.s32 s3, s9;
	s6 =	sadd.s32 @!p0 $0x88, s6;
	s7 =	simm.s32 @p2 $0x1082  }
0x22: {  	[simem:s7], [sflag:s8] =	dma.local @!p0 [hbm:s6], $0xF7A  }
0x23: {  	s9 =	sor.u32 $0xD0000000, s2;
	s6 =	simm.s32 $0x108;
	_ =	swait.ge @!p0 [sflag:s8], $0x0  }
0x24: {  	s3 =	sadd.s32 $0x88, s3;
	s6 =	simm.s32 @!p1 $0x1082;
	[sflag:s4] =	ssyncset.s32 $0xFFFFF086  }
0x25: {  	[simem:s6], [sflag:s4] =	dma.local [hbm:s3], $0xF7A  }
0x26: {  	[smem:$0x3F99] =	sst s1;
	(tag) =	ssettag s2;
	_ =	strace s9  }
0x27: {  	s1 =	sld [smem:$0x3FA9]  }
0x28: {  	s2 =	sld [smem:$0x3FAA]  }
0x29: {  	s4 =	sld [smem:$0x3FAC]  }
0x2a: {  	p0 =	seq.s32 s5, $0x0;
	s5 =	sld [smem:$0x3FAD]  }
0x2b: {  	s6 =	sld [smem:$0x3FAE]  }
0x2c: {  	s7 =	sld [smem:$0x3FAF]  }
0x2d: {  	s3 =	simm.s32 $0x108;
	s8 =	sld [smem:$0x3FB0]  }
0x2e: {  	s3 =	simm.s32 @!p0 $0x1082;
	s9 =	sld [smem:$0x3FB1]  }
0x2f: {  	lr =	sadd.s32 s0, s3;
	s0 =	sld [smem:$0x3FA8]  }
0x30: {  	s3 =	sld [smem:$0x3FAB]  }
0x31: {  	[smem:$0x3FB4] =	sst s10  }
0x32: {  	s10 =	sld [smem:$0x3FB2];
	_ =	sdelay $0x3  }
0x33: {  	p0 =	seq.s32 s10, $0x1;
	s10 =	sld [smem:$0x3FB4];
	_ =	sdelay $0x3  }
0x34: {  	[smem:$0x3FB4] =	sst s10  }
0x35: {  	s10 =	sld [smem:$0x3FB3];
	_ =	sdelay $0x3  }
0x36: {  	p1 =	seq.s32 s10, $0x1;
	s10 =	sld [smem:$0x3FB4];
	_ =	sdelay $0x3  }
0x37: {  	[smem:$0x3FB4] =	sst s10  }
0x38: {  	s10 =	sld [smem:$0x3FB5]  }
0x39: {  	_ = 	snop;
	(pc) =	sbr.ind lr, $3  }
0x3a: {  	_ = 	snop  }
0x3b: {  	_ = 	snop  }
0x3c: {  	p2 =	seq.s32 s10, $0x1;
	s10 =	sld [smem:$0x3FB4]  }
0x3d: {  	_ =	shalt  }
0x3e: {  	_ =	shalt  }
0x3f: {  	_ =	shalt  }
0x40: {  	_ =	shalt  }
0x41: {  	_ =	shalt  }
0x42: {  	_ =	shalt  }
0x43: {  	_ =	shalt  }
0x44: {  	_ =	shalt  }
0x45: {  	_ =	shalt  }
0x46: {  	_ =	shalt  }
0x47: {  	_ =	shalt  }
0x48: {  	_ =	shalt  }
0x49: {  	_ =	shalt  }
0x4a: {  	_ =	shalt  }
0x4b: {  	_ =	shalt  }
0x4c: {  	_ =	shalt  }
0x4d: {  	_ =	shalt  }
0x4e: {  	_ =	shalt  }
0x4f: {  	_ =	shalt  }
0x50: {  	_ =	shalt  }
0x51: {  	_ =	shalt  }
0x52: {  	_ =	shalt  }
0x53: {  	_ =	shalt  }
0x54: {  	_ =	shalt  }
0x55: {  	_ =	shalt  }
0x56: {  	_ =	shalt  }
0x57: {  	_ =	shalt  }
0x58: {  	_ =	shalt  }
0x59: {  	_ =	shalt  }
0x5a: {  	_ =	shalt  }
0x5b: {  	_ =	shalt  }
0x5c: {  	_ =	shalt  }
0x5d: {  	_ =	shalt  }
0x5e: {  	_ =	shalt  }
0x5f: {  	_ =	shalt  }
0x60: {  	_ =	shalt  }
0x61: {  	_ =	shalt  }
0x62: {  	_ =	shalt  }
0x63: {  	_ =	shalt  }
0x64: {  	_ =	shalt  }
0x65: {  	_ =	shalt  }
0x66: {  	_ =	shalt  }
0x67: {  	_ =	shalt  }
0x68: {  	_ =	shalt  }
0x69: {  	_ =	shalt  }
0x6a: {  	_ =	shalt  }
0x6b: {  	_ =	shalt  }
0x6c: {  	_ =	shalt  }
0x6d: {  	_ =	shalt  }
0x6e: {  	_ =	shalt  }
0x6f: {  	_ =	shalt  }
0x70: {  	_ =	shalt  }
0x71: {  	_ =	shalt  }
0x72: {  	_ =	shalt  }
0x73: {  	_ =	shalt  }
0x74: {  	_ =	shalt  }
0x75: {  	_ =	shalt  }
0x76: {  	_ =	shalt  }
0x77: {  	_ =	shalt  }
0x78: {  	_ =	shalt  }
0x79: {  	_ =	shalt  }
0x7a: {  	_ =	shalt  }
0x7b: {  	_ =	shalt  }
0x7c: {  	_ =	shalt  }
0x7d: {  	_ =	shalt  }
0x7e: {  	_ =	shalt  }
0x7f: {  	_ =	shalt  }
0x80: {  	_ =	shalt  }
0x81: {  	_ =	shalt  }
0x82: {  	_ =	shalt  }
0x83: {  	_ =	shalt  }
0x84: {  	_ =	shalt  }
0x85: {  	_ =	shalt  }
0x86: {  	_ =	shalt  }
0x87: {  	_ =	shalt  }
.Lfunc_end0:
.L_simem_size_0:
called_computation_lowered:
.L_overlay_start_0:
0x88: {  	s2 =	sld [smem:$0x3FD9]  }
0x89: {  	s3 =	sld [smem:$0x3FFE];
	_ =	sdelay $0x1  }
0x8a: {  	s1 =	srdreg.scid  }
0x8b: {  	s0 =	sand.u32 $0x1, s1  }
0x8c: {  	s17 =	sshll.u32 s0, $0xA;
	s2 =	sadd.s32 s3, s2  }
0x8d: {  	s2 =	sadd.s32 s2, s17  }
0x8e: {  	[smem:$0x3FC0] =	sst s2  }
0x8f: {  	_ = 	snop  }
0x90: {  	s2 =	sld [smem:$0x3FD0];
	(tm) =	ssettm $0x1  }
0x91: {  	s18 =	sld [smem:$0x3FFB];
	_ =	sdelay $0x3  }
0x92: {  	_ =	strace s18  }
0x93: {  	s3 =	sld [smem:$0x3FFC];
	_ =	sdelay $0x3  }
0x94: {  	_ =	strace s3  }
0x95: {  	s3 =	sld [smem:$0x3FFD];
	_ =	sdelay $0x3  }
0x96: {  	_ =	strace s3  }
0x97: {  	_ =	strace $0x8FFFFFFF  }
0x98: {  	s19 =	sld [smem:$0x3FDB];
	_ =	sdelay $0x1  }
0x99: {  	s4 =	simm.s32 $_scs_section_size  }
0x9a: {  	s5 =	simm.s32 $_size__tile_overlayer_lowered;
	s6 =	simm.s32 $_tile_overlayer_lowered  }
0x9b: {  	s22 =	simm.s32 $0x1BFF;
	s21 =	sshll.u32 s6, $0x1;
	s3 =	sadd.s32 s4, s19  }
0x9c: {  	s7 =	simm.s32 $0x0;
	s20 =	sshll.u32 s5, $0x1;
	s5 =	sadd.s32 s21, s3  }
0x9d: {  	[timem:s7], [sflag:s22] =	dma.local [hbm:s5], s20  }
0x9e: {  	_ =	swait.ge [sflag:s22], s20  }
0x9f: {  	s4 =	ssub.s32 $0x0, s20;
	[sflag:s22] =	ssyncset.done $0x0  }
0xa0: {  	[sflag:s22] =	ssyncadd.s32 s4;
	_ =	sdelay $0x1  }
0xa1: {  	s23 =	simm.s32 $0x1B8B  }
0xa2: {  	_ =	swait.ge [sflag:s23], $0x1  }
0xa3: {  	[sflag:s23] =	ssyncset.done $0x0  }
0xa4: {  	s25 =	simm.s32 $0x1B8E;
	s24 =	sld [smem:$0x3FFE];
	[sflag:s23] =	ssyncadd.s32 $0xFFFFFFFF  }
0xa5: {  	s26 =	simm.s32 $execute0_lowered;
	[smem:$0x3FD2] =	sst s25  }
0xa6: {  	s5 =	sshll.u32 s26, $0x1;
	_ =	strace $0x80000049;
	[dreg:$0x1] =	wrdreg $0xFFFFFFFF  }
0xa7: {  	s28 =	simm.s32 $_size_execute0_lowered;
	s3 =	sadd.s32 s3, s5;
	[dreg:$0x0] =	wrdreg $0x0  }
0xa8: {  	s5 =	sshll.u32 s28, $0x1;
	[dreg:$0x2] =	wrdreg s3  }
0xa9: {  	[dreg:$0x3] =	wrdreg s5  }
0xaa: {  	[dreg:$0x4] =	wrdreg $0xC0  }
0xab: {  	_ =	task [dreg:s7], $0x5FFFF  }
0xac: {  	[dreg:$0x1] =	wrdreg $0xFFFFFFFF  }
0xad: {  	[dreg:$0x0] =	wrdreg $0x60  }
0xae: {  	[dreg:$0x2] =	wrdreg s24  }
0xaf: {  	[dreg:$0x3] =	wrdreg s2  }
0xb0: {  	[dreg:$0x4] =	wrdreg $0x9  }
0xb1: {  	_ =	task.clear_ibuf [dreg:s7], $0x5FFFF;
	_ =	strace $0x90000049  }
0xb2: {  	s29 =	simm.s32 $0x9;
	_ =	strace $0x8000004B  }
0xb3: {  	_ =	swait.ge [sflag:s29], $0x1  }
0xb4: {  	[sflag:s29] =	ssyncadd.s32 $0xFFFFFFFF  }
0xb5: {  	_ =	strace $0x9000004B  }
0xb6: {  	_ =	sfence  }
0xb7: {  	s30 =	sld [smem:$0x0];
	_ =	sdelay $0x2  }
0xb8: {  	s31 =	sshll.u32 s1, $0xD;
	s1 =	sshrl.u32 s1, $0x2  }
0xb9: {  	s3 =	sand.u32 $0x4000, s31;
	s1 =	sadd.s32 s1, s30  }
0xba: {  	s0 =	sor.u32 s3, s0;
	s1 =	sshll.u32 s1, $0x11  }
0xbb: {  	s0 =	sor.u32 s1, s0  }
0xbc: {  	s0 =	sadd.s32 $0x8F2B, s0  }
0xbd: {  	[sflag:s0] =	ssyncadd.remote.s32 $0x1  }
0xbe: {  	_ =	sfence.sel $0xFFFF  }
0xbf: {  	[dreg:$0x0] =	wrdreg $0xFFFFFFFF;
	(pc) =	sbr.abs _section_cstart, $3  }
0xc0: {  	[dreg:$0x1] =	wrdreg $0xFFFFFFFF  }
0xc1: {  	_ =	task.clear_ibuf [dreg:s7], $0x2FFFF;
	_ =	strace $0x9FFFFFFF  }
0xc2: {  	(tm) =	ssettm $0x7FFFFFFF  }
0xc3: {  	_ =	shalt  }
tec
execute0_lowered:
.L_overlay_start_1:
0x0: {  	(tag) =	ssettag $0x1  }
0x1: {  	s1 =	srdreg.scid;
	s5 =	rddreg [dreg:$0x0]  }
0x2: {  	s0 =	stileid.u32;
	s2 =	rddreg [dreg:$0x1];
	s6 =	simm.s32 $0x1  }
0x3: {  	s9 =	simm.s32 $0x1;
	s10 =	simm.s32 $0x3;
	s1 =	sshll.u32 s1, $0x8  }
0x4: {  	s13 =	simm.s32 $0x0;
	s3 =	sshll.u32 s0, $0x9;
	s4 =	sand.u32 $0x100, s1  }
0x5: {  	s12 =	simm.s32 $0x0;
	s1 =	rddreg [dreg:$0x2];
	s3 =	sor.u32 s3, s4  }
0x6: {  	_ =	strace $0x8000004A;
	s4 =	sadd.s32 $0x3000, s5;
	s8 =	ssub.s32 $0x4000, s3  }
.Ltmp0:
0x7: {  	s5 =	sadd.s32 $0x61A00, s5;
	s7 =	sand.u32 $0x1F00, s8;
	(pc) =	sbr.rel .LBB2_1-.Ltmp0, $4  }
0x8: {  	[sflag:s6] =	ssyncpa.u1 $0x0;
	s11 =	smov.u32 s3;
	p0 =	sne.s32 s7, $0x0  }
0x9: {  	s8 =	sshrl.u32 s8, $0xD;
	s7 =	simm.s32 $0x2;
	s9 =	simm.s32 @!p0 $0x0  }
0xa: {  	[sflag:s7] =	ssyncpa.u1 $0x0;
	p0 =	por $0x0, $0x0;
	s8 =	sadd.s32 s9, s8  }
0xb: {  	vm0 =	vmmov $0xffff;
	[sflag:s10] =	ssyncpa.u1 $0x0;
	s10 =	simm.s32 $0x0;
	s9 =	sadd.s32 $0x1, s8  }
.LBB2_4:
0xc: {  	v2 =	vnsel vm1, $0x0, v2  }
0xd: {  	vm1 =	vgt.s32 v0, $0x0;
	v2 =	vmin.u32 v2, $0xF47FF  }
0xe: {  	v0 =	vnsel vm1, $0x0, v0  }
0xf: {  	v0 =	vmin.u32 v0, $0xF47FF  }
0x10: {  	[tilespmem:s15], [sflag:$0x1] =	stream.indirect_vreg.gather [hbm4b:s4+s10], $0x1, v1, vm0, $0x4038;
	[tilespmem:$0x400] =	vst v63  }
0x11: {  	(ifvalue) =	ssetifvalue $0x7FFFFFFF  }
0x12: {  	[tilespmem:s16], [sflag:$0x1] =	stream.indirect_vreg.gather [hbm4b:s4+s10], $0x1, v2, vm0, $0x4038;
	[tilespmem:$0x400] =	vst v63  }
0x13: {  	s29 =	sadd.s32 $0x10, s16;
	(ifvalue) =	ssetifvalue $0x7FFFFFFF  }
0x14: {  	[tilespmem:s29], [sflag:$0x1] =	stream.indirect_vreg.gather [hbm4b:s4+s10], $0x1, v0, vm0, $0x4038;
	[tilespmem:$0x400] =	vst v63  }
0x15: {  	_ =	swait.ge [sflag:s6], $0x100  }
0x16: {  	s30 =	sshrl.u32 s13, $0x3;
	[sflag:s6] =	ssyncset.done $0x0  }
0x17: {  	s31 =	sand.u32 $0x7, s13;
	s15 =	sadd.s32 s5, s30;
	[sflag:s6] =	ssyncadd.s32 $0xFFFFFF00  }
0x18: {  	[hbm4b:s15+s31] =	stream.linear.scatter [tilespmem:s14], [sflag:$0x3], $0x100, $0x38;
	[tilespmem:$0x400] =	vst v63  }
.LBB2_5:
0x19: {  	s15 =	sadd.s32 $0x2000, s11  }
0x1a: {  	p2 =	sgt.s32 s15, $0x3FFF  }
0x1b: {  	s15 =	smov.u32 @p2 s3;
	p2 =	sne.s32 s12, s9  }
.Ltmp1:
0x1c: {  	p1 =	slt.u32 s12, $0x2;
	(pc) =	sbr.rel @!p2 .LBB2_6-.Ltmp1, $4  }
0x1d: {  	s14 =	simm.s32 @!p1 $0x3  }
0x1e: {  	s16 =	sadd.s32 $0x1, s12;
	_ =	swait.ge @!p1 [sflag:s14], $0x100  }
0x1f: {  	s13 =	smov.u32 s11;
	p0 =	por !p0, !p0;
	[sflag:s14] =	ssyncset.done @!p1 $0x0  }
0x20: {  	s12 =	smov.u32 s16;
	s11 =	smov.u32 s15;
	[sflag:s14] =	ssyncadd.s32 @!p1 $0xFFFFFF00  }
.LBB2_1:
0x21: {  	p1 =	sge.u32 s12, s8  }
0x22: {  	s14 =	sxor.u32 @!p1 $0xFFFFFFFF, s12  }
0x23: {  	s31 =	sadd.s32 $0xFFFFFFFF, s12;
	s15 =	sshrl.u32 @!p1 s11, $0x3;
	s14 =	sshll.u32 @!p1 s14, $0x8  }
0x24: {  	s16 =	sand.u32 @!p1 $0x7, s11;
	s15 =	sadd.s32 @!p1 s2, s15;
	s14 =	sand.u32 @!p1 $0x100, s14  }
0x25: {  	[tilespmem:s14], [sflag:$0x2] =	stream.linear.gather @!p1 [hbm4b:s15+s16], $0x100, $0x38;
	[tilespmem:$0x400] =	vst v63  }
0x26: {  	p1 =	sge.u32 s31, s8  }
.Ltmp2:
0x27: {  	_ = 	snop;
	(pc) =	sbr.rel @p1 .LBB2_5-.Ltmp2, $1  }
0x28: {  	_ =	sdelay $0x3  }
0x29: {  	s14 =	simm.s32 $0x1  }
0x2a: {  	_ =	swait.ge [sflag:s7], $0x100;
	s14 =	simm.s32 @!p0 $0x0  }
0x2b: {  	[sflag:s7] =	ssyncset.done $0x0;
	s14 =	sshll.u32 s14, $0x8  }
0x2c: {  	[sflag:s7] =	ssyncadd.s32 $0xFFFFFF00;
	(ifvalue) =	ssetifvalue $0x7FFFFFFF;
	v0 =	vld.msk [tilespmem:s14+$0x0 ss:$0x1], $0xffff;
	_ =	sdelay $0x4  }
0x2d: {  	s15 =	sadd.s32 $0x10, s14;
	vm1 =	vgt.s32 v0, $0x0  }
0x2e: {  	v2 =	vld.msk [tilespmem:s15+$0x0 ss:$0x1], $0xffff;
	v1 =	vnsel vm1, $0x0, v0  }
0x2f: {  	v1 =	vmin.u32 v1, $0xF47FF;
	_ =	sdelay $0x1  }
0x30: {  	s16 =	sshll.u32 s12, $0x8;
	s18 =	simm.s32 $0x20  }
0x31: {  	s16 =	sand.u32 $0x100, s16;
	s17 =	sadd.s32 $0x10, s15;
	s15 =	sor.u32 $0x200, s14  }
0x32: {  	s14 =	sor.u32 $0x200, s16;
	s16 =	sadd.s32 $0x10, s15;
	v0 =	vld.msk [tilespmem:s17+$0x0 ss:$0x1], $0xffff;
	vm1 =	vgt.s32 v2, $0x0;
	(ifvalue) =	ssetifvalue $0x7FFFFFFF  }
.LBB2_3:
0x33: {  	[tilespmem:s15], [sflag:$0x1] =	stream.indirect_vreg.gather [hbm4b:s4+s10], $0x1, v1, vm0, $0x4038;
	[tilespmem:$0x400] =	vst v63  }
0x34: {  	s18 =	sadd.s32 $0x10, s18  }
0x35: {  	v2 =	vnsel vm1, $0x0, v2;
	p1 =	slt.u32 s18, $0xF0  }
.Ltmp3:
0x36: {  	s15 =	smov.u32 s16;
	v1 =	vmin.u32 v2, $0xF47FF;
	(pc) =	sbr.rel @p1 .LBB2_3-.Ltmp3, $3  }
0x37: {  	_ =	sdelay $0x1  }
0x38: {  	s17 =	sadd.s32 $0x10, s17  }
0x39: {  	vm1 =	vgt.s32 v0, $0x0;
	s16 =	sadd.s32 $0x10, s16;
	v2 =	vmov v0;
	(ifvalue) =	ssetifvalue $0x7FFFFFFF;
	v0 =	vld.msk [tilespmem:s17+$0x0 ss:$0x1], $0xffff  }
.Ltmp4:
0x3a: {  	_ = 	snop;
	(pc) =	sbr.rel .LBB2_4-.Ltmp4, $1  }
0x3b: {  	_ =	sdelay $0x3  }
.LBB2_6:
0x3c: {  	_ =	sfence.sel $0x180000  }
0x3d: {  	s2 =	simm.s32 $0x2;
	[bflag:$0x0] =	sbarrier.arrive $0xFFFF  }
0x3e: {  	s30 =	simm.s32 $0x3;
	[sflag:s2] =	ssyncpa.u1 $0x1  }
0x3f: {  	s31 =	simm.s32 $0x1;
	[sflag:s30] =	ssyncpa.u1 $0x1  }
0x40: {  	[sflag:s31] =	ssyncpa.u1 $0x1  }
0x41: {  	p0 =	sne.s32 s0, $0x0;
	_ =	strace $0x9000004A  }
0x42: {  	s0 =	sadd.s32 @!p0 $0x100000, s1;
	[bflag:$0x2] =	sbarrier.arrive $0xFFFF  }
0x43: {  	[sflag:s0] =	ssyncadd.tile.s32 @!p0 $0x1;
	_ =	shalt  }
.Lfunc_end2:
_tile_overlayer_lowered:
.L_overlay_start_2:
0x44: {  	(tag) =	ssettag $0x2  }
0x45: {  	s0 =	rddreg [dreg:$0x0];
	s2 =	stileid.u32  }
0x46: {  	s1 =	rddreg [dreg:$0x1];
	p0 =	sne.s32 s2, $0x0  }
0x47: {  	s3 =	rddreg [dreg:$0x2];
	[bflag:$0x3] =	sbarrier.arrive $0xFFFF;
	s2 =	simm.s32 @!p0 $0x1C01  }
0x48: {  	[timem:s3], [sflag:s2] =	dma.local @!p0 [hbm:s0], s1  }
0x49: {  	s0 =	simm.s32 @!p0 $0x1  }
0x4a: {  	_ =	swait.ge @!p0 [sflag:s0], s1  }
0x4b: {  	s1 =	ssub.s32 @!p0 $0x0, s1;
	[sflag:s0] =	ssyncset.done @!p0 $0x0  }
0x4c: {  	[sflag:s0] =	ssyncadd.s32 @!p0 s1  }
0x4d: {  	[bflag:$0x3] =	sbarrier.arrive $0xFFFF  }
0x4e: {  	_ =	shalt  }

// kernel: kernel.4.cloned.1.call-start
scs
__scs_entry_jumppad:
0x0: {  	(pc) =	sbr.rel $0x88, $3  }
0x1: {  	(tag) =	ssettag $0x0;
	lr =	simm.s32 $0x1  }
0x2: {  	[smem:$0x3F99] =	sst lr;
	_ =	strace $0xD0000000  }
0x3: {  	_ = 	snop  }
0x4: {  	_ = 	snop  }
0x5: {  	_ = 	snop  }
0x6: {  	_ = 	snop  }
0x7: {  	_ = 	snop  }
__scs_overlays_trampoline_lowered:
0x8: {  	[smem:$0x3FA8] =	sst s0  }
0x9: {  	[smem:$0x3FA9] =	sst s1  }
0xa: {  	[smem:$0x3FAA] =	sst s2  }
0xb: {  	[smem:$0x3FAB] =	sst s3  }
0xc: {  	[smem:$0x3FAC] =	sst s4  }
0xd: {  	[smem:$0x3FAD] =	sst s5  }
0xe: {  	[smem:$0x3FAE] =	sst s6  }
0xf: {  	[smem:$0x3FAF] =	sst s7  }
0x10: {  	[smem:$0x3FB0] =	sst s8  }
0x11: {  	[smem:$0x3FB1] =	sst s9;
	s0 =	simm.s32 @!p0 $0x0  }
0x12: {  	s1 =	sld [smem:$0x3F97];
	s0 =	simm.s32 @p0 $0x1  }
0x13: {  	[smem:$0x3FB2] =	sst s0;
	s0 =	simm.s32 @!p1 $0x0  }
0x14: {  	s2 =	sld [smem:$0x3F96];
	s0 =	simm.s32 @p1 $0x1  }
0x15: {  	[smem:$0x3FB3] =	sst s0;
	s0 =	simm.s32 @!p2 $0x0  }
0x16: {  	s3 =	sld [smem:$0x3FDB];
	s0 =	simm.s32 @p2 $0x1  }
0x17: {  	s4 =	simm.s32 $0x1BF5;
	[smem:$0x3FB5] =	sst s0  }
0x18: {  	s0 =	sld [smem:$0x3F98];
	_ =	swait.ge [sflag:s4], $0x0  }
0x19: {  	s7 =	sld [smem:$0x3F99]  }
0x1a: {  	s8 =	sadd.s32 $0xFFFFE003, lr  }
0x1b: {  	s9 =	sadd.s32 $0xFFFFFEF7, lr;
	s5 =	simm.s32 $0xFFFFFFFF;
	p2 =	slt.u32 s8, $0xFFFFF086  }
0x1c: {  	p1 =	slt.u32 s9, $0xF7A;
	s5 =	simm.s32 @!p2 $0x0  }
0x1d: {  	s5 =	simm.s32 @p1 $0x1;
	p0 =	seq.s32 s7, s2  }
0x1e: {  	s7 =	smul.u32 @!p0 $0xF7A, s2;
	p2 =	seq.s32 @!p0 s5, $0x0  }
0x1f: {  	s9 =	smul.u32 $0xF7A, s1;
	s8 =	simm.s32 @!p0 $0x1BF5;
	p2 =	por !p2, p0  }
0x20: {  	[sflag:s8] =	ssyncset.s32 @!p0 $0xFFFFF086;
	s6 =	sadd.s32 @!p0 s3, s7;
	s7 =	simm.s32 @!p0 $0x108  }
0x21: {  	s3 =	sadd.s32 s3, s9;
	s6 =	sadd.s32 @!p0 $0x88, s6;
	s7 =	simm.s32 @p2 $0x1082  }
0x22: {  	[simem:s7], [sflag:s8] =	dma.local @!p0 [hbm:s6], $0xF7A  }
0x23: {  	s9 =	sor.u32 $0xD0000000, s2;
	s6 =	simm.s32 $0x108;
	_ =	swait.ge @!p0 [sflag:s8], $0x0  }
0x24: {  	s3 =	sadd.s32 $0x88, s3;
	s6 =	simm.s32 @!p1 $0x1082;
	[sflag:s4] =	ssyncset.s32 $0xFFFFF086  }
0x25: {  	[simem:s6], [sflag:s4] =	dma.local [hbm:s3], $0xF7A  }
0x26: {  	[smem:$0x3F99] =	sst s1;
	(tag) =	ssettag s2;
	_ =	strace s9  }
0x27: {  	s1 =	sld [smem:$0x3FA9]  }
0x28: {  	s2 =	sld [smem:$0x3FAA]  }
0x29: {  	s4 =	sld [smem:$0x3FAC]  }
0x2a: {  	p0 =	seq.s32 s5, $0x0;
	s5 =	sld [smem:$0x3FAD]  }
0x2b: {  	s6 =	sld [smem:$0x3FAE]  }
0x2c: {  	s7 =	sld [smem:$0x3FAF]  }
0x2d: {  	s3 =	simm.s32 $0x108;
	s8 =	sld [smem:$0x3FB0]  }
0x2e: {  	s3 =	simm.s32 @!p0 $0x1082;
	s9 =	sld [smem:$0x3FB1]  }
0x2f: {  	lr =	sadd.s32 s0, s3;
	s0 =	sld [smem:$0x3FA8]  }
0x30: {  	s3 =	sld [smem:$0x3FAB]  }
0x31: {  	[smem:$0x3FB4] =	sst s10  }
0x32: {  	s10 =	sld [smem:$0x3FB2];
	_ =	sdelay $0x3  }
0x33: {  	p0 =	seq.s32 s10, $0x1;
	s10 =	sld [smem:$0x3FB4];
	_ =	sdelay $0x3  }
0x34: {  	[smem:$0x3FB4] =	sst s10  }
0x35: {  	s10 =	sld [smem:$0x3FB3];
	_ =	sdelay $0x3  }
0x36: {  	p1 =	seq.s32 s10, $0x1;
	s10 =	sld [smem:$0x3FB4];
	_ =	sdelay $0x3  }
0x37: {  	[smem:$0x3FB4] =	sst s10  }
0x38: {  	s10 =	sld [smem:$0x3FB5]  }
0x39: {  	_ = 	snop;
	(pc) =	sbr.ind lr, $3  }
0x3a: {  	_ = 	snop  }
0x3b: {  	_ = 	snop  }
0x3c: {  	p2 =	seq.s32 s10, $0x1;
	s10 =	sld [smem:$0x3FB4]  }
0x3d: {  	_ =	shalt  }
0x3e: {  	_ =	shalt  }
0x3f: {  	_ =	shalt  }
0x40: {  	_ =	shalt  }
0x41: {  	_ =	shalt  }
0x42: {  	_ =	shalt  }
0x43: {  	_ =	shalt  }
0x44: {  	_ =	shalt  }
0x45: {  	_ =	shalt  }
0x46: {  	_ =	shalt  }
0x47: {  	_ =	shalt  }
0x48: {  	_ =	shalt  }
0x49: {  	_ =	shalt  }
0x4a: {  	_ =	shalt  }
0x4b: {  	_ =	shalt  }
0x4c: {  	_ =	shalt  }
0x4d: {  	_ =	shalt  }
0x4e: {  	_ =	shalt  }
0x4f: {  	_ =	shalt  }
0x50: {  	_ =	shalt  }
0x51: {  	_ =	shalt  }
0x52: {  	_ =	shalt  }
0x53: {  	_ =	shalt  }
0x54: {  	_ =	shalt  }
0x55: {  	_ =	shalt  }
0x56: {  	_ =	shalt  }
0x57: {  	_ =	shalt  }
0x58: {  	_ =	shalt  }
0x59: {  	_ =	shalt  }
0x5a: {  	_ =	shalt  }
0x5b: {  	_ =	shalt  }
0x5c: {  	_ =	shalt  }
0x5d: {  	_ =	shalt  }
0x5e: {  	_ =	shalt  }
0x5f: {  	_ =	shalt  }
0x60: {  	_ =	shalt  }
0x61: {  	_ =	shalt  }
0x62: {  	_ =	shalt  }
0x63: {  	_ =	shalt  }
0x64: {  	_ =	shalt  }
0x65: {  	_ =	shalt  }
0x66: {  	_ =	shalt  }
0x67: {  	_ =	shalt  }
0x68: {  	_ =	shalt  }
0x69: {  	_ =	shalt  }
0x6a: {  	_ =	shalt  }
0x6b: {  	_ =	shalt  }
0x6c: {  	_ =	shalt  }
0x6d: {  	_ =	shalt  }
0x6e: {  	_ =	shalt  }
0x6f: {  	_ =	shalt  }
0x70: {  	_ =	shalt  }
0x71: {  	_ =	shalt  }
0x72: {  	_ =	shalt  }
0x73: {  	_ =	shalt  }
0x74: {  	_ =	shalt  }
0x75: {  	_ =	shalt  }
0x76: {  	_ =	shalt  }
0x77: {  	_ =	shalt  }
0x78: {  	_ =	shalt  }
0x79: {  	_ =	shalt  }
0x7a: {  	_ =	shalt  }
0x7b: {  	_ =	shalt  }
0x7c: {  	_ =	shalt  }
0x7d: {  	_ =	shalt  }
0x7e: {  	_ =	shalt  }
0x7f: {  	_ =	shalt  }
0x80: {  	_ =	shalt  }
0x81: {  	_ =	shalt  }
0x82: {  	_ =	shalt  }
0x83: {  	_ =	shalt  }
0x84: {  	_ =	shalt  }
0x85: {  	_ =	shalt  }
0x86: {  	_ =	shalt  }
0x87: {  	_ =	shalt  }
.Lfunc_end0:
.L_simem_size_0:
called_computation.4_lowered:
.L_overlay_start_0:
0x88: {  	s2 =	sld [smem:$0x3FD9]  }
0x89: {  	s3 =	sld [smem:$0x3FFE];
	_ =	sdelay $0x1  }
0x8a: {  	s1 =	srdreg.scid  }
0x8b: {  	s0 =	sand.u32 $0x1, s1  }
0x8c: {  	s17 =	sshll.u32 s0, $0xA;
	s2 =	sadd.s32 s3, s2  }
0x8d: {  	s2 =	sadd.s32 s2, s17  }
0x8e: {  	[smem:$0x3FC0] =	sst s2  }
0x8f: {  	_ = 	snop  }
0x90: {  	s2 =	sld [smem:$0x3FC9];
	(tm) =	ssettm $0x1  }
0x91: {  	s18 =	sld [smem:$0x3FFB];
	_ =	sdelay $0x3  }
0x92: {  	_ =	strace s18  }
0x93: {  	s3 =	sld [smem:$0x3FFC];
	_ =	sdelay $0x3  }
0x94: {  	_ =	strace s3  }
0x95: {  	s3 =	sld [smem:$0x3FFD];
	_ =	sdelay $0x3  }
0x96: {  	_ =	strace s3  }
0x97: {  	_ =	strace $0x8FFFFFFF  }
0x98: {  	s19 =	sld [smem:$0x3FDB];
	_ =	sdelay $0x1  }
0x99: {  	s4 =	simm.s32 $_scs_section_size  }
0x9a: {  	s5 =	simm.s32 $_size__tile_overlayer_lowered;
	s6 =	simm.s32 $_tile_overlayer_lowered  }
0x9b: {  	s22 =	simm.s32 $0x1BFF;
	s21 =	sshll.u32 s6, $0x1;
	s3 =	sadd.s32 s4, s19  }
0x9c: {  	s7 =	simm.s32 $0x0;
	s20 =	sshll.u32 s5, $0x1;
	s5 =	sadd.s32 s21, s3  }
0x9d: {  	[timem:s7], [sflag:s22] =	dma.local [hbm:s5], s20  }
0x9e: {  	_ =	swait.ge [sflag:s22], s20  }
0x9f: {  	s4 =	ssub.s32 $0x0, s20;
	[sflag:s22] =	ssyncset.done $0x0  }
0xa0: {  	[sflag:s22] =	ssyncadd.s32 s4;
	_ =	sdelay $0x1  }
0xa1: {  	s23 =	simm.s32 $0x1B8B  }
0xa2: {  	_ =	swait.ge [sflag:s23], $0x1  }
0xa3: {  	[sflag:s23] =	ssyncset.done $0x0  }
0xa4: {  	s25 =	simm.s32 $0x1B8E;
	s24 =	sld [smem:$0x3FFE];
	[sflag:s23] =	ssyncadd.s32 $0xFFFFFFFF  }
0xa5: {  	s26 =	simm.s32 $execute0_lowered;
	[smem:$0x3FD2] =	sst s25  }
0xa6: {  	s5 =	sshll.u32 s26, $0x1;
	_ =	strace $0x80000046;
	[dreg:$0x1] =	wrdreg $0xFFFFFFFF  }
0xa7: {  	s28 =	simm.s32 $_size_execute0_lowered;
	s3 =	sadd.s32 s3, s5;
	[dreg:$0x0] =	wrdreg $0x0  }
0xa8: {  	s5 =	sshll.u32 s28, $0x1;
	[dreg:$0x2] =	wrdreg s3  }
0xa9: {  	[dreg:$0x3] =	wrdreg s5  }
0xaa: {  	[dreg:$0x4] =	wrdreg $0xC0  }
0xab: {  	_ =	task [dreg:s7], $0x5FFFF  }
0xac: {  	[dreg:$0x1] =	wrdreg $0xFFFFFFFF  }
0xad: {  	[dreg:$0x0] =	wrdreg $0x60  }
0xae: {  	[dreg:$0x2] =	wrdreg s2  }
0xaf: {  	[dreg:$0x3] =	wrdreg s24  }
0xb0: {  	[dreg:$0x4] =	wrdreg $0x9  }
0xb1: {  	_ =	task.clear_ibuf [dreg:s7], $0x5FFFF;
	_ =	strace $0x90000046  }
0xb2: {  	s29 =	simm.s32 $0x9;
	_ =	strace $0x80000048  }
0xb3: {  	_ =	swait.ge [sflag:s29], $0x1  }
0xb4: {  	[sflag:s29] =	ssyncadd.s32 $0xFFFFFFFF  }
0xb5: {  	_ =	strace $0x90000048  }
0xb6: {  	_ =	sfence  }
0xb7: {  	s30 =	sld [smem:$0x0];
	_ =	sdelay $0x2  }
0xb8: {  	s31 =	sshll.u32 s1, $0xD;
	s1 =	sshrl.u32 s1, $0x2  }
0xb9: {  	s3 =	sand.u32 $0x4000, s31;
	s1 =	sadd.s32 s1, s30  }
0xba: {  	s0 =	sor.u32 s3, s0;
	s1 =	sshll.u32 s1, $0x11  }
0xbb: {  	s0 =	sor.u32 s1, s0  }
0xbc: {  	s0 =	sadd.s32 $0x8F2B, s0  }
0xbd: {  	[sflag:s0] =	ssyncadd.remote.s32 $0x1  }
0xbe: {  	_ =	sfence.sel $0xFFFF  }
0xbf: {  	[dreg:$0x0] =	wrdreg $0xFFFFFFFF;
	(pc) =	sbr.abs _section_cstart, $3  }
0xc0: {  	[dreg:$0x1] =	wrdreg $0xFFFFFFFF  }
0xc1: {  	_ =	task.clear_ibuf [dreg:s7], $0x2FFFF;
	_ =	strace $0x9FFFFFFF  }
0xc2: {  	(tm) =	ssettm $0x7FFFFFFF  }
0xc3: {  	_ =	shalt  }
tec
execute0_lowered:
.L_overlay_start_1:
0x0: {  	(tag) =	ssettag $0x1  }
0x1: {  	s1 =	rddreg [dreg:$0x0];
	v0 =	vimm.s32 $0xFFEDCBA9;
	v1 =	vimm.s32 $0x87654321  }
0x2: {  	s0 =	stileid.u32;
	s2 =	srdreg.scid;
	v0 =	vunpack.c.l.s4.s8 v0;
	v1 =	vunpack.c.l.s4.s8 v1  }
0x3: {  	s4 =	rddreg [dreg:$0x1];
	s5 =	smul.u32 $0xF480, s0;
	s3 =	sand.u32 $0x1, s2  }
0x4: {  	s2 =	rddreg [dreg:$0x2];
	s6 =	ssub.s32 $0x2, s3;
	v0 =	vunpack.c.0.s8.s32 v0;
	v1 =	vunpack.c.0.s8.s32 v1  }
0x5: {  	s3 =	simm.s32 $0x0;
	s7 =	sshrl.u32 s5, $0x3;
	s8 =	sshrl.u32 s6, $0x1  }
0x6: {  	[smem:$0x7FF] =	sst s3;
	s4 =	sadd.s32 s7, s4;
	s6 =	ssub.s32 s6, s8;
	v2 =	vcombine.low v1, v0  }
0x7: {  	vm0 =	vcmask $0x3F3C;
	_ =	strace $0x80000047;
	s7 =	simm.s32 $0x4000;
	s8 =	simm.s32 $0x0  }
0x8: {  	v0 =	vmov s5;
	s4 =	sadd.s32 $0x3000, s4;
	s5 =	smax.u32 s6, $0x1;
	s6 =	simm.s32 $0x1;
	v1 =	vlaneseq.u32;
	v2 =	vand.u32 $0xF, v2  }
.LBB2_1:
0x9: {  	[tilespmem:s3], [sflag:$0x1] =	stream.linear.gather [hbm4b:s1+s3], $0x4000, $0x38;
	[tilespmem:$0x13480] =	vst v63  }
0xa: {  	_ =	swait.ge [sflag:s6], $0x4000  }
0xb: {  	s9 =	simm.s32 $0xFFFFFFFC;
	[sflag:s6] =	ssyncset.done $0x0  }
0xc: {  	s10 =	simm.s32 $0x20;
	s11 =	simm.s32 $0x0;
	[sflag:s6] =	ssyncadd.s32 $0xFFFFC000  }
.LBB2_2:
0xd: {  	v3 =	vld [tilespmem:s10+$0xFFFFFFE0];
	_ =	sdelay $0x4  }
0xe: {  	v3 =	vshll.u32 v3, $0x4  }
0xf: {  	v3 =	vor.u32 v1, v3  }
0x10: {  	(xrf1) =	vsort.ascd.msk.u32 $0xffff, v3, v3;
	_ =	sdelay $0xd  }
0x11: {  	v3, _, _ =	vpop (xrf1)  }
0x12: {  	v4 =	vshra.s32 v3, $0x4  }
0x13: {  	v5 =	vperm.xlane v4, v2;
	_ =	sdelay $0x1  }
0x14: {  	v54 =	vsub.s32 v4, v0;
	vm1 =	vne.s32 v4, v5  }
0x15: {  	vm2 =	vlt.u32 v54, $0xF480;
	vm1 =	vmor vm1, vm0  }
0x16: {  	v5 =	vand.u32 $0xFFFFFF80, v54;
	v4 =	vand.u32 $0x7F, v4;
	vm1 =	vmand vm1, vm2  }
0x17: {  	v4 =	vor.u32 v4, v5;
	_ =	sdelay $0x2  }
0x18: {  	v3 =	vand.u32 $0xF, v3  }
0x19: {  	v3 =	vor.u32 s11, v3  }
0x1a: {  	[tilespmem:v4+s7+$0x0] =	vst.idx.msk vm1, v3  }
0x1b: {  	v3 =	vld [tilespmem:s10+$0xFFFFFFF0];
	_ =	sdelay $0x4  }
0x1c: {  	v3 =	vshll.u32 v3, $0x4  }
0x1d: {  	v3 =	vor.u32 v1, v3  }
0x1e: {  	(xrf1) =	vsort.ascd.msk.u32 $0xffff, v3, v3;
	_ =	sdelay $0xd  }
0x1f: {  	v3, _, _ =	vpop (xrf1)  }
0x20: {  	v55 =	vshra.s32 v3, $0x4  }
0x21: {  	v56 =	vperm.xlane v55, v2;
	_ =	sdelay $0x1  }
0x22: {  	v57 =	vsub.s32 v55, v0;
	vm1 =	vne.s32 v55, v56  }
0x23: {  	vm2 =	vlt.u32 v57, $0xF480;
	vm1 =	vmor vm1, vm0  }
0x24: {  	v4 =	vand.u32 $0x7F, v55;
	v5 =	vand.u32 $0xFFFFFF80, v57;
	vm1 =	vmand vm1, vm2  }
0x25: {  	v4 =	vor.u32 v4, v5;
	_ =	sdelay $0x2  }
0x26: {  	s12 =	sadd.s32 $0x10, s11;
	v3 =	vand.u32 $0xF, v3  }
0x27: {  	v3 =	vor.u32 s12, v3  }
0x28: {  	[tilespmem:v4+s7+$0x0] =	vst.idx.msk vm1, v3  }
0x29: {  	v3 =	vld [tilespmem:s10+$0x0];
	_ =	sdelay $0x4  }
0x2a: {  	v3 =	vshll.u32 v3, $0x4  }
0x2b: {  	v3 =	vor.u32 v1, v3  }
0x2c: {  	(xrf1) =	vsort.ascd.msk.u32 $0xffff, v3, v3;
	_ =	sdelay $0xd  }
0x2d: {  	v3, _, _ =	vpop (xrf1)  }
0x2e: {  	v58 =	vshra.s32 v3, $0x4  }
0x2f: {  	v59 =	vperm.xlane v58, v2;
	_ =	sdelay $0x1  }
0x30: {  	v60 =	vsub.s32 v58, v0;
	vm1 =	vne.s32 v58, v59  }
0x31: {  	vm2 =	vlt.u32 v60, $0xF480;
	vm1 =	vmor vm1, vm0  }
0x32: {  	v4 =	vand.u32 $0x7F, v58;
	v5 =	vand.u32 $0xFFFFFF80, v60;
	vm1 =	vmand vm1, vm2  }
0x33: {  	v4 =	vor.u32 v4, v5;
	_ =	sdelay $0x2  }
0x34: {  	s30 =	sadd.s32 $0x20, s11;
	v3 =	vand.u32 $0xF, v3  }
0x35: {  	v3 =	vor.u32 s30, v3  }
0x36: {  	[tilespmem:v4+s7+$0x0] =	vst.idx.msk vm1, v3  }
0x37: {  	v3 =	vld [tilespmem:s10+$0x10];
	_ =	sdelay $0x4  }
0x38: {  	v3 =	vshll.u32 v3, $0x4  }
0x39: {  	v3 =	vor.u32 v1, v3  }
0x3a: {  	(xrf1) =	vsort.ascd.msk.u32 $0xffff, v3, v3;
	_ =	sdelay $0xd  }
0x3b: {  	v3, _, _ =	vpop (xrf1)  }
0x3c: {  	v61 =	vshra.s32 v3, $0x4  }
0x3d: {  	v62 =	vperm.xlane v61, v2;
	_ =	sdelay $0x1  }
0x3e: {  	v63 =	vsub.s32 v61, v0;
	vm1 =	vne.s32 v61, v62  }
0x3f: {  	vm2 =	vlt.u32 v63, $0xF480;
	vm1 =	vmor vm1, vm0  }
0x40: {  	s9 =	sadd.s32 $0x4, s9;
	v4 =	vand.u32 $0x7F, v61;
	v5 =	vand.u32 $0xFFFFFF80, v63;
	vm1 =	vmand vm1, vm2  }
0x41: {  	p0 =	slt.u32 s9, $0x3FC;
	v4 =	vor.u32 v4, v5  }
.Ltmp0:
0x42: {  	_ = 	snop;
	(pc) =	sbr.rel @p0 .LBB2_2-.Ltmp0, $4  }
0x43: {  	_ = 	snop  }
0x44: {  	s31 =	sadd.s32 $0x30, s11;
	v3 =	vand.u32 $0xF, v3  }
0x45: {  	v3 =	vor.u32 s31, v3  }
0x46: {  	s11 =	sadd.s32 $0x40, s11;
	s10 =	sadd.s32 $0x40, s10;
	[tilespmem:v4+s7+$0x0] =	vst.idx.msk vm1, v3  }
0x47: {  	s8 =	sadd.s32 $0x1, s8  }
0x48: {  	p0 =	sne.s32 s8, s5  }
.Ltmp1:
0x49: {  	_ = 	snop;
	(pc) =	sbr.rel @p0 .LBB2_1-.Ltmp1, $4  }
0x4a: {  	[hbm4b:s4+s3] =	stream.linear.scatter [tilespmem:s7], [sflag:$0x1], $0xF480, $0x38;
	[tilespmem:$0x13480] =	vst v63  }
0x4b: {  	_ =	swait.ge [sflag:s6], $0xF480  }
0x4c: {  	[sflag:s6] =	ssyncset.done $0x0  }
0x4d: {  	[sflag:s6] =	ssyncadd.s32 $0xFFFF0B80  }
0x4e: {  	_ =	sfence.sel $0x180000  }
0x4f: {  	[bflag:$0x0] =	sbarrier.arrive $0xFFFF  }
0x50: {  	p0 =	sne.s32 s0, $0x0;
	_ =	strace $0x90000047  }
0x51: {  	s0 =	sadd.s32 @!p0 $0x100000, s2;
	[bflag:$0x2] =	sbarrier.arrive $0xFFFF  }
0x52: {  	[sflag:s0] =	ssyncadd.tile.s32 @!p0 $0x1;
	_ =	shalt  }
.Lfunc_end2:
_tile_overlayer_lowered:
.L_overlay_start_2:
0x53: {  	(tag) =	ssettag $0x2  }
0x54: {  	s0 =	rddreg [dreg:$0x0];
	s2 =	stileid.u32  }
0x55: {  	s1 =	rddreg [dreg:$0x1];
	p0 =	sne.s32 s2, $0x0  }
0x56: {  	s3 =	rddreg [dreg:$0x2];
	[bflag:$0x3] =	sbarrier.arrive $0xFFFF;
	s2 =	simm.s32 @!p0 $0x1C01  }
0x57: {  	[timem:s3], [sflag:s2] =	dma.local @!p0 [hbm:s0], s1  }
0x58: {  	s0 =	simm.s32 @!p0 $0x1  }
0x59: {  	_ =	swait.ge @!p0 [sflag:s0], s1  }
0x5a: {  	s1 =	ssub.s32 @!p0 $0x0, s1;
	[sflag:s0] =	ssyncset.done @!p0 $0x0  }
0x5b: {  	[sflag:s0] =	ssyncadd.s32 @!p0 s1  }
0x5c: {  	[bflag:$0x3] =	sbarrier.arrive $0xFFFF  }
0x5d: {  	_ =	shalt  }

</sc_bundles>
